<compile_context>
chip_gen: v7x
topology: tpu7x:2x2x1
jax: 0.10.2.dev20260603
libtpu: 0.0.44.dev20260713+nightly
codegen_flags: <defaults>
</compile_context>

<pallas_src>
import functools

import jax
import jax.numpy as jnp
from jax import lax
from jax.experimental import pallas as pl
from jax.experimental.pallas import tpu as pltpu
from jax.experimental.pallas import tpu_sc as plsc

NC = 2
NS = 16
NW = NC * NS
LANES = 16

_L = 200
_D = 16
_CHUNK = 128
_SUP_IDXROWS = 25
_SUP_IDX = _SUP_IDXROWS * _CHUNK
_SUP_B = _SUP_IDX // _L
_UNROLL = 25


def _pool_sc(ids2, emb, B):
    rows_per_tile = B // NW
    sup_per_tile = rows_per_tile // _SUP_B
    idxrows_per_tile = rows_per_tile * _L // _CHUNK

    mesh = plsc.VectorSubcoreMesh(
        core_axis_name="c", subcore_axis_name="s", num_cores=NC,
        num_subcores=NS)

    @functools.partial(
        pl.kernel,
        out_type=jax.ShapeDtypeStruct((B, _D), jnp.float32),
        mesh=mesh,
        scratch_types=[
            pltpu.VMEM((_SUP_IDXROWS, _CHUNK), jnp.int32),
            pltpu.VMEM((_SUP_IDX, _D), jnp.float32),
            pltpu.VMEM((_SUP_IDX, _D), jnp.float32),
            pltpu.VMEM((rows_per_tile, _D), jnp.float32),
            pltpu.SemaphoreType.DMA,
            pltpu.SemaphoreType.DMA,
        ],
        compiler_params=pltpu.CompilerParams(use_tc_tiling_on_sc=False),
    )
    def k(ids_hbm, emb_hbm, out_hbm, ibuf, rows0, rows1, outbuf, sg0, sg1):
        wid = lax.axis_index("s") * NC + lax.axis_index("c")
        row0 = wid * idxrows_per_tile
        rbufs = (rows0, rows1)
        sgs = (sg0, sg1)

        def idx_src(t):
            return ids_hbm.at[pl.ds(row0 + t * _SUP_IDXROWS, _SUP_IDXROWS)]

        def fire_gathers(ib, rb, sg):
            def fire(r, _):
                pltpu.async_copy(emb_hbm.at[ib.at[r]],
                                 rb.at[pl.ds(r * _CHUNK, _CHUNK)], sg)
                return 0
            lax.fori_loop(0, _SUP_IDXROWS, fire, 0)

        def drain_gathers(rb, sg):
            pltpu.make_async_copy(
                emb_hbm.at[pl.ds(0, _SUP_IDX)], rb, sg).wait()

        def accumulate(rb, t):
            def pool_row(g, _):
                base = g * _L

                def acc_step(i, accs):
                    j = base + i * _UNROLL
                    accs = list(accs)
                    for k in range(_UNROLL):
                        accs[k % 8] = accs[k % 8] + rb[j + k, :]
                    return tuple(accs)

                zero = jnp.zeros((LANES,), jnp.float32)
                accs = lax.fori_loop(0, _L // _UNROLL, acc_step, (zero,) * 8)
                s4 = (accs[0] + accs[1], accs[2] + accs[3],
                      accs[4] + accs[5], accs[6] + accs[7])
                outbuf[t * _SUP_B + g, :] = (s4[0] + s4[1]) + (s4[2] + s4[3])
                return 0
            lax.fori_loop(0, _SUP_B, pool_row, 0)

        pltpu.sync_copy(idx_src(0), ibuf)
        fire_gathers(ibuf, rows0, sg0)

        def pair(t2, _):
            for p in (0, 1):
                t = 2 * t2 + p
                drain_gathers(rbufs[p], sgs[p])
                pltpu.sync_copy(idx_src(t + 1), ibuf)
                fire_gathers(ibuf, rbufs[1 - p], sgs[1 - p])
                accumulate(rbufs[p], t)
            return 0

        lax.fori_loop(0, sup_per_tile // 2 - 1, pair, 0)
        t_last = sup_per_tile - 2
        drain_gathers(rows0, sg0)
        pltpu.sync_copy(idx_src(t_last + 1), ibuf)
        fire_gathers(ibuf, rows1, sg1)
        accumulate(rows0, t_last)
        drain_gathers(rows1, sg1)
        accumulate(rows1, t_last + 1)
        pltpu.sync_copy(outbuf,
                        out_hbm.at[pl.ds(wid * rows_per_tile, rows_per_tile)])

    return k(ids2, emb)


_PROJ_BLK = 32768
_SUB = _PROJ_BLK // 8
_SH_BLK = _PROJ_BLK.bit_length() - 1
_SH_SUB = _SUB.bit_length() - 1


def _project_pack_tc(embT, W):
    D, V = embT.shape
    grid = (V + _PROJ_BLK - 1) // _PROJ_BLK

    def body(et_ref, w_ref, o_ref):
        res = lax.dot_general(
            w_ref[...], et_ref[...], (((1,), (0,)), ((), ())),
            preferred_element_type=jnp.float32)
        stack = jnp.concatenate(
            [res[:, k * _SUB:(k + 1) * _SUB] for k in range(8)], axis=0)
        o_ref[...] = stack.T

    return pl.pallas_call(
        body,
        grid=(grid,),
        in_specs=[
            pl.BlockSpec((D, _PROJ_BLK), lambda i: (0, i)),
            pl.BlockSpec(W.shape, lambda i: (0, 0)),
        ],
        out_specs=pl.BlockSpec((_SUB, 128), lambda i: (i, 0)),
        out_shape=jax.ShapeDtypeStruct((grid * _SUB, 128), jnp.float32),
    )(embT, W)


@jax.jit
def kernel(input_ids, attention_mask, emb, W):
    del attention_mask
    B, L = input_ids.shape
    v = input_ids.reshape(B * L // _CHUNK, _CHUNK)
    ids2 = (((v >> _SH_BLK) << _SH_BLK) | ((v & (_SUB - 1)) << 3)
            | ((v >> _SH_SUB) & 7))
    packed = _project_pack_tc(emb.T, W)
    embW = packed.reshape(packed.shape[0] * 8, _D)
    return _pool_sc(ids2, embW, B)

# --- scband reference (transcript-rebuilt; emitter-appended) ---
"""Pipeline reference for scband-tiny-transformer-like-63866163691901 (READ-ONLY COPY).

The authoritative reference and input builder live on the scoring server;
editing this copy changes nothing except your own understanding.
"""

import jax, jax.numpy as jnp
import numpy as np

VOCAB = 1000000
DIM = 16
OUT_F = 16
B = 16384
L = 200


def setup_inputs(seed: int = 0) -> dict:
    key = jax.random.key(seed)
    k1, k2, k3 = jax.random.split(key, 3)
    input_ids = jax.random.randint(k1, (B, L), 0, VOCAB, dtype=jnp.int64 if jax.config.jax_enable_x64 else jnp.int32).astype(jnp.int32)
    attention_mask = jnp.ones((B, L), dtype=jnp.int32)
    emb = jax.random.normal(k2, (VOCAB, DIM), dtype=jnp.float32)
    W = jax.random.normal(k3, (OUT_F, DIM), dtype=jnp.float32) * (1.0 / np.sqrt(DIM))
    return {"input_ids": input_ids, "attention_mask": attention_mask, "emb": emb, "W": W}


def reference(input_ids, attention_mask, emb, W):
    # x = self.emb(input_ids)  -> gather rows from embedding table
    x = jnp.take(emb, input_ids, axis=0)          # [B, L, DIM]
    # y = self.proj(x)  (Linear, bias=False): y = x @ W^T
    y = jnp.einsum('bld,od->blo', x, W)           # [B, L, OUT_F]
    # return y.sum(dim=1)
    return y.sum(axis=1)                          # [B, OUT_F]

if __name__ == "__main__":
    import jax
    _d = setup_inputs()
    print(jax.jit(kernel)(*tuple(_d.values())))

</pallas_src>

<mosaic_0001>
#map = affine_map<(d0, d1) -> (0, 0)>
module attributes {stable_mosaic.version = 14 : i64} {
  func.func @k(%arg0: i32, %arg1: i32, %arg2: memref<25600x128xi32, #tpu.memory_space<hbm>>, %arg3: memref<1015808x16xf32, #tpu.memory_space<hbm>>, %arg4: memref<16384x16xf32, #tpu.memory_space<hbm>>, %arg5: memref<25x128xi32, #tpu.memory_space<vmem>>, %arg6: memref<3200x16xf32, #tpu.memory_space<vmem>>, %arg7: memref<3200x16xf32, #tpu.memory_space<vmem>>, %arg8: memref<512x16xf32, #tpu.memory_space<vmem>>, %arg9: memref<!tpu.dma_semaphore, #tpu.memory_space<semaphore_mem>>, %arg10: memref<!tpu.dma_semaphore, #tpu.memory_space<semaphore_mem>>) attributes {dimension_semantics = [#tpu.dimension_semantics<core_parallel>, #tpu.dimension_semantics<subcore_parallel>], iteration_bounds = array<i64: 2, 16>, scalar_prefetch = 0 : i64, scratch_operands = 6 : i64, tpu.core_type = #tpu.core_type<sc_vector_subcore>, window_params = [{transform_indices = #map}, {transform_indices = #map}, {transform_indices = #map}]} {
    %mul3A = arith.constant 2 : i32
    %mul3A_0 = arith.muli %arg1, %mul3A : i32
    %add3A = arith.addi %mul3A_0, %arg0 : i32
    %mul3A_1 = arith.constant 800 : i32
    %mul3A_2 = arith.muli %add3A, %mul3A_1 : i32
    %add3A_3 = arith.constant 0 : i32
    %add3A_4 = arith.addi %mul3A_2, %add3A_3 : i32
    "tpu.region"() ({
      %run_scoped3A = tpu.sem_alloc : memref<!tpu.dma_semaphore, #tpu.memory_space<semaphore_mem>>
      %dma_start3A = arith.constant 0 : i32
      %dma_start3A_54 = tpu.memref_slice %arg2[%add3A_4, %dma_start3A] : memref<25600x128xi32, #tpu.memory_space<hbm>> -> memref<25x128xi32, #tpu.memory_space<hbm>>
      %dma_start3A_55 = arith.constant 0 : i32
      %dma_start3A_56 = tpu.memref_slice %arg2[%add3A_4, %dma_start3A_55] : memref<25600x128xi32, #tpu.memory_space<hbm>> -> memref<25x128xi32, #tpu.memory_space<hbm>>
      tpu.enqueue_dma source(%dma_start3A_56 : memref<25x128xi32, #tpu.memory_space<hbm>>) target(%arg5 : memref<25x128xi32, #tpu.memory_space<vmem>>) target_semaphore(%run_scoped3A : memref<!tpu.dma_semaphore, #tpu.memory_space<semaphore_mem>>)
      %dma_wait3A_57 = arith.constant 0 : i32
      %dma_wait3A_58 = tpu.memref_slice %arg2[%add3A_4, %dma_wait3A_57] : memref<25600x128xi32, #tpu.memory_space<hbm>> -> memref<25x128xi32, #tpu.memory_space<hbm>>
      %dma_wait3A_59 = arith.constant 0 : i32
      %dma_wait3A_60 = tpu.memref_slice %arg2[%add3A_4, %dma_wait3A_59] : memref<25600x128xi32, #tpu.memory_space<hbm>> -> memref<25x128xi32, #tpu.memory_space<hbm>>
      tpu.wait_dma2 semaphore(%run_scoped3A : memref<!tpu.dma_semaphore, #tpu.memory_space<semaphore_mem>>) src(%dma_wait3A_60 : memref<25x128xi32, #tpu.memory_space<hbm>>) dst(%arg5 : memref<25x128xi32, #tpu.memory_space<vmem>>)
      tpu.yield
    }) : () -> ()
    %scan3A = arith.constant 0 : i32
    %scan3A_5 = arith.constant 0 : i32
    %scan3A_6 = arith.constant 25 : i32
    %scan3A_7 = arith.addi %scan3A_5, %scan3A_6 : i32
    %scan3A_8 = arith.constant 1 : i32
    %scan3A_9 = scf.for %scan3A_54 = %scan3A_5 to %scan3A_7 step %scan3A_8 iter_args(%scan3A_55 = %scan3A) -> (i32)  : i32 {
      %mul3A_56 = arith.constant 128 : i32
      %mul3A_57 = arith.muli %scan3A_54, %mul3A_56 : i32
      %dma_start3A = arith.constant 0 : i32
      %dma_start3A_58 = tpu.memref_slice %arg6[%mul3A_57, %dma_start3A] : memref<3200x16xf32, #tpu.memory_space<vmem>> -> memref<128x16xf32, #tpu.memory_space<vmem>>
      %dma_start3A_59 = arith.constant 0 : i32
      %dma_start3A_60 = tpu.memref_slice %arg5[%scan3A_54, %dma_start3A_59] : memref<25x128xi32, #tpu.memory_space<vmem>> -> memref<1x128xi32, #tpu.memory_space<vmem>>
      %dma_start3A_61 = tpu.memref_squeeze %dma_start3A_60 : memref<1x128xi32, #tpu.memory_space<vmem>> -> memref<128xi32, #tpu.memory_space<vmem>>
      %dma_start3A_62 = arith.constant 0 : i32
      %dma_start3A_63 = arith.constant 0 : i32
      %dma_start3A_64 = tpu.memref_slice %arg3[%dma_start3A_62, %dma_start3A_63] : memref<1015808x16xf32, #tpu.memory_space<hbm>> -> memref<1015808x16xf32, #tpu.memory_space<hbm>>
      tpu.enqueue_indirect_dma source(%dma_start3A_64 : memref<1015808x16xf32, #tpu.memory_space<hbm>>) target(%dma_start3A_58 : memref<128x16xf32, #tpu.memory_space<vmem>>) offsets(%dma_start3A_61 : memref<128xi32, #tpu.memory_space<vmem>>) semaphore(%arg9 : memref<!tpu.dma_semaphore, #tpu.memory_space<semaphore_mem>>)
      %scan3A_65 = arith.constant 0 : i32
      scf.yield %scan3A_65 : i32
    }
    %scan3A_10 = arith.constant 25 : i32
    %scan3A_11 = arith.constant 0 : i32
    %scan3A_12 = arith.constant 0 : i32
    %scan3A_13 = arith.constant 15 : i32
    %scan3A_14 = arith.addi %scan3A_12, %scan3A_13 : i32
    %scan3A_15 = arith.constant 1 : i32
    %scan3A_16 = scf.for %scan3A_54 = %scan3A_12 to %scan3A_14 step %scan3A_15 iter_args(%scan3A_55 = %scan3A_11) -> (i32)  : i32 {
      %mul3A_56 = arith.constant 2 : i32
      %mul3A_57 = arith.muli %mul3A_56, %scan3A_54 : i32
      %add3A_58 = arith.constant 0 : i32
      %add3A_59 = arith.addi %mul3A_57, %add3A_58 : i32
      %dma_wait3A_60 = arith.constant 0 : i32
      %dma_wait3A_61 = arith.constant 0 : i32
      %dma_wait3A_62 = tpu.memref_slice %arg3[%dma_wait3A_60, %dma_wait3A_61] : memref<1015808x16xf32, #tpu.memory_space<hbm>> -> memref<3200x16xf32, #tpu.memory_space<hbm>>
      %dma_wait3A_63 = arith.constant 0 : i32
      %dma_wait3A_64 = arith.constant 0 : i32
      %dma_wait3A_65 = tpu.memref_slice %arg3[%dma_wait3A_63, %dma_wait3A_64] : memref<1015808x16xf32, #tpu.memory_space<hbm>> -> memref<3200x16xf32, #tpu.memory_space<hbm>>
      tpu.wait_dma2 semaphore(%arg9 : memref<!tpu.dma_semaphore, #tpu.memory_space<semaphore_mem>>) src(%dma_wait3A_65 : memref<3200x16xf32, #tpu.memory_space<hbm>>) dst(%arg6 : memref<3200x16xf32, #tpu.memory_space<vmem>>)
      %add3A_66 = arith.constant 1 : i32
      %add3A_67 = arith.addi %add3A_59, %add3A_66 : i32
      %mul3A_68 = arith.constant 25 : i32
      %mul3A_69 = arith.muli %add3A_67, %mul3A_68 : i32
      %add3A_70 = arith.addi %mul3A_2, %mul3A_69 : i32
      "tpu.region"() ({
        %run_scoped3A = tpu.sem_alloc : memref<!tpu.dma_semaphore, #tpu.memory_space<semaphore_mem>>
        %dma_start3A = arith.constant 0 : i32
        %dma_start3A_115 = tpu.memref_slice %arg2[%add3A_70, %dma_start3A] : memref<25600x128xi32, #tpu.memory_space<hbm>> -> memref<25x128xi32, #tpu.memory_space<hbm>>
        %dma_start3A_116 = arith.constant 0 : i32
        %dma_start3A_117 = tpu.memref_slice %arg2[%add3A_70, %dma_start3A_116] : memref<25600x128xi32, #tpu.memory_space<hbm>> -> memref<25x128xi32, #tpu.memory_space<hbm>>
        tpu.enqueue_dma source(%dma_start3A_117 : memref<25x128xi32, #tpu.memory_space<hbm>>) target(%arg5 : memref<25x128xi32, #tpu.memory_space<vmem>>) target_semaphore(%run_scoped3A : memref<!tpu.dma_semaphore, #tpu.memory_space<semaphore_mem>>)
        %dma_wait3A_118 = arith.constant 0 : i32
        %dma_wait3A_119 = tpu.memref_slice %arg2[%add3A_70, %dma_wait3A_118] : memref<25600x128xi32, #tpu.memory_space<hbm>> -> memref<25x128xi32, #tpu.memory_space<hbm>>
        %dma_wait3A_120 = arith.constant 0 : i32
        %dma_wait3A_121 = tpu.memref_slice %arg2[%add3A_70, %dma_wait3A_120] : memref<25600x128xi32, #tpu.memory_space<hbm>> -> memref<25x128xi32, #tpu.memory_space<hbm>>
        tpu.wait_dma2 semaphore(%run_scoped3A : memref<!tpu.dma_semaphore, #tpu.memory_space<semaphore_mem>>) src(%dma_wait3A_121 : memref<25x128xi32, #tpu.memory_space<hbm>>) dst(%arg5 : memref<25x128xi32, #tpu.memory_space<vmem>>)
        tpu.yield
      }) : () -> ()
      %scan3A_71 = arith.constant 0 : i32
      %scan3A_72 = arith.constant 0 : i32
      %scan3A_73 = arith.constant 25 : i32
      %scan3A_74 = arith.addi %scan3A_72, %scan3A_73 : i32
      %scan3A_75 = arith.constant 1 : i32
      %scan3A_76 = scf.for %scan3A_115 = %scan3A_72 to %scan3A_74 step %scan3A_75 iter_args(%scan3A_116 = %scan3A_71) -> (i32)  : i32 {
        %mul3A_117 = arith.constant 128 : i32
        %mul3A_118 = arith.muli %scan3A_115, %mul3A_117 : i32
        %dma_start3A = arith.constant 0 : i32
        %dma_start3A_119 = tpu.memref_slice %arg7[%mul3A_118, %dma_start3A] : memref<3200x16xf32, #tpu.memory_space<vmem>> -> memref<128x16xf32, #tpu.memory_space<vmem>>
        %dma_start3A_120 = arith.constant 0 : i32
        %dma_start3A_121 = tpu.memref_slice %arg5[%scan3A_115, %dma_start3A_120] : memref<25x128xi32, #tpu.memory_space<vmem>> -> memref<1x128xi32, #tpu.memory_space<vmem>>
        %dma_start3A_122 = tpu.memref_squeeze %dma_start3A_121 : memref<1x128xi32, #tpu.memory_space<vmem>> -> memref<128xi32, #tpu.memory_space<vmem>>
        %dma_start3A_123 = arith.constant 0 : i32
        %dma_start3A_124 = arith.constant 0 : i32
        %dma_start3A_125 = tpu.memref_slice %arg3[%dma_start3A_123, %dma_start3A_124] : memref<1015808x16xf32, #tpu.memory_space<hbm>> -> memref<1015808x16xf32, #tpu.memory_space<hbm>>
        tpu.enqueue_indirect_dma source(%dma_start3A_125 : memref<1015808x16xf32, #tpu.memory_space<hbm>>) target(%dma_start3A_119 : memref<128x16xf32, #tpu.memory_space<vmem>>) offsets(%dma_start3A_122 : memref<128xi32, #tpu.memory_space<vmem>>) semaphore(%arg10 : memref<!tpu.dma_semaphore, #tpu.memory_space<semaphore_mem>>)
        %scan3A_126 = arith.constant 0 : i32
        scf.yield %scan3A_126 : i32
      }
      %scan3A_77 = arith.constant 25 : i32
      %scan3A_78 = arith.constant 0 : i32
      %scan3A_79 = arith.constant 0 : i32
      %scan3A_80 = arith.constant 16 : i32
      %scan3A_81 = arith.addi %scan3A_79, %scan3A_80 : i32
      %scan3A_82 = arith.constant 1 : i32
      %scan3A_83 = scf.for %scan3A_115 = %scan3A_79 to %scan3A_81 step %scan3A_82 iter_args(%scan3A_116 = %scan3A_78) -> (i32)  : i32 {
        %mul3A_117 = arith.constant 200 : i32
        %mul3A_118 = arith.muli %scan3A_115, %mul3A_117 : i32
        %broadcast_in_dim3A = arith.constant 0.000000e+00 : f32
        %broadcast_in_dim3A_119 = vector.broadcast %broadcast_in_dim3A : f32 to vector<16xf32>
        %scan3A_120 = arith.constant 0 : i32
        %scan3A_121 = arith.constant 8 : i32
        %scan3A_122 = arith.addi %scan3A_120, %scan3A_121 : i32
        %scan3A_123 = arith.constant 1 : i32
        %scan3A_124:8 = scf.for %scan3A_141 = %scan3A_120 to %scan3A_122 step %scan3A_123 iter_args(%scan3A_142 = %broadcast_in_dim3A_119, %scan3A_143 = %broadcast_in_dim3A_119, %scan3A_144 = %broadcast_in_dim3A_119, %scan3A_145 = %broadcast_in_dim3A_119, %scan3A_146 = %broadcast_in_dim3A_119, %scan3A_147 = %broadcast_in_dim3A_119, %scan3A_148 = %broadcast_in_dim3A_119, %scan3A_149 = %broadcast_in_dim3A_119) -> (vector<16xf32>, vector<16xf32>, vector<16xf32>, vector<16xf32>, vector<16xf32>, vector<16xf32>, vector<16xf32>, vector<16xf32>)  : i32 {
          %mul3A_150 = arith.constant 25 : i32
          %mul3A_151 = arith.muli %scan3A_141, %mul3A_150 : i32
          %add3A_152 = arith.addi %mul3A_118, %mul3A_151 : i32
          %add3A_153 = arith.constant 0 : i32
          %add3A_154 = arith.addi %add3A_152, %add3A_153 : i32
          %get3A = arith.index_cast %add3A_154 : i32 to index
          %get3A_155 = arith.constant 0 : index
          %get3A_156 = tpu.vector_load %arg6[%get3A, %get3A_155] {strides = array<i32>} : memref<3200x16xf32, #tpu.memory_space<vmem>>, vector<1x16xf32>,
          %get3A_157 = vector.shape_cast %get3A_156 : vector<1x16xf32> to vector<16xf32>
          %add3A_158 = arith.addf %scan3A_142, %get3A_157 : vector<16xf32>
          %add3A_159 = arith.constant 1 : i32
          %add3A_160 = arith.addi %add3A_152, %add3A_159 : i32
          %get3A_161 = arith.index_cast %add3A_160 : i32 to index
          %get3A_162 = arith.constant 0 : index
          %get3A_163 = tpu.vector_load %arg6[%get3A_161, %get3A_162] {strides = array<i32>} : memref<3200x16xf32, #tpu.memory_space<vmem>>, vector<1x16xf32>,
          %get3A_164 = vector.shape_cast %get3A_163 : vector<1x16xf32> to vector<16xf32>
          %add3A_165 = arith.addf %scan3A_143, %get3A_164 : vector<16xf32>
          %add3A_166 = arith.constant 2 : i32
          %add3A_167 = arith.addi %add3A_152, %add3A_166 : i32
          %get3A_168 = arith.index_cast %add3A_167 : i32 to index
          %get3A_169 = arith.constant 0 : index
          %get3A_170 = tpu.vector_load %arg6[%get3A_168, %get3A_169] {strides = array<i32>} : memref<3200x16xf32, #tpu.memory_space<vmem>>, vector<1x16xf32>,
          %get3A_171 = vector.shape_cast %get3A_170 : vector<1x16xf32> to vector<16xf32>
          %add3A_172 = arith.addf %scan3A_144, %get3A_171 : vector<16xf32>
          %add3A_173 = arith.constant 3 : i32
          %add3A_174 = arith.addi %add3A_152, %add3A_173 : i32
          %get3A_175 = arith.index_cast %add3A_174 : i32 to index
          %get3A_176 = arith.constant 0 : index
          %get3A_177 = tpu.vector_load %arg6[%get3A_175, %get3A_176] {strides = array<i32>} : memref<3200x16xf32, #tpu.memory_space<vmem>>, vector<1x16xf32>,
          %get3A_178 = vector.shape_cast %get3A_177 : vector<1x16xf32> to vector<16xf32>
          %add3A_179 = arith.addf %scan3A_145, %get3A_178 : vector<16xf32>
          %add3A_180 = arith.constant 4 : i32
          %add3A_181 = arith.addi %add3A_152, %add3A_180 : i32
          %get3A_182 = arith.index_cast %add3A_181 : i32 to index
          %get3A_183 = arith.constant 0 : index
          %get3A_184 = tpu.vector_load %arg6[%get3A_182, %get3A_183] {strides = array<i32>} : memref<3200x16xf32, #tpu.memory_space<vmem>>, vector<1x16xf32>,
          %get3A_185 = vector.shape_cast %get3A_184 : vector<1x16xf32> to vector<16xf32>
          %add3A_186 = arith.addf %scan3A_146, %get3A_185 : vector<16xf32>
          %add3A_187 = arith.constant 5 : i32
          %add3A_188 = arith.addi %add3A_152, %add3A_187 : i32
          %get3A_189 = arith.index_cast %add3A_188 : i32 to index
          %get3A_190 = arith.constant 0 : index
          %get3A_191 = tpu.vector_load %arg6[%get3A_189, %get3A_190] {strides = array<i32>} : memref<3200x16xf32, #tpu.memory_space<vmem>>, vector<1x16xf32>,
          %get3A_192 = vector.shape_cast %get3A_191 : vector<1x16xf32> to vector<16xf32>
          %add3A_193 = arith.addf %scan3A_147, %get3A_192 : vector<16xf32>
          %add3A_194 = arith.constant 6 : i32
          %add3A_195 = arith.addi %add3A_152, %add3A_194 : i32
          %get3A_196 = arith.index_cast %add3A_195 : i32 to index
          %get3A_197 = arith.constant 0 : index
          %get3A_198 = tpu.vector_load %arg6[%get3A_196, %get3A_197] {strides = array<i32>} : memref<3200x16xf32, #tpu.memory_space<vmem>>, vector<1x16xf32>,
          %get3A_199 = vector.shape_cast %get3A_198 : vector<1x16xf32> to vector<16xf32>
          %add3A_200 = arith.addf %scan3A_148, %get3A_199 : vector<16xf32>
          %add3A_201 = arith.constant 7 : i32
          %add3A_202 = arith.addi %add3A_152, %add3A_201 : i32
          %get3A_203 = arith.index_cast %add3A_202 : i32 to index
          %get3A_204 = arith.constant 0 : index
          %get3A_205 = tpu.vector_load %arg6[%get3A_203, %get3A_204] {strides = array<i32>} : memref<3200x16xf32, #tpu.memory_space<vmem>>, vector<1x16xf32>,
          %get3A_206 = vector.shape_cast %get3A_205 : vector<1x16xf32> to vector<16xf32>
          %add3A_207 = arith.addf %scan3A_149, %get3A_206 : vector<16xf32>
          %add3A_208 = arith.constant 8 : i32
          %add3A_209 = arith.addi %add3A_152, %add3A_208 : i32
          %get3A_210 = arith.index_cast %add3A_209 : i32 to index
          %get3A_211 = arith.constant 0 : index
          %get3A_212 = tpu.vector_load %arg6[%get3A_210, %get3A_211] {strides = array<i32>} : memref<3200x16xf32, #tpu.memory_space<vmem>>, vector<1x16xf32>,
          %get3A_213 = vector.shape_cast %get3A_212 : vector<1x16xf32> to vector<16xf32>
          %add3A_214 = arith.addf %add3A_158, %get3A_213 : vector<16xf32>
          %add3A_215 = arith.constant 9 : i32
          %add3A_216 = arith.addi %add3A_152, %add3A_215 : i32
          %get3A_217 = arith.index_cast %add3A_216 : i32 to index
          %get3A_218 = arith.constant 0 : index
          %get3A_219 = tpu.vector_load %arg6[%get3A_217, %get3A_218] {strides = array<i32>} : memref<3200x16xf32, #tpu.memory_space<vmem>>, vector<1x16xf32>,
          %get3A_220 = vector.shape_cast %get3A_219 : vector<1x16xf32> to vector<16xf32>
          %add3A_221 = arith.addf %add3A_165, %get3A_220 : vector<16xf32>
          %add3A_222 = arith.constant 10 : i32
          %add3A_223 = arith.addi %add3A_152, %add3A_222 : i32
          %get3A_224 = arith.index_cast %add3A_223 : i32 to index
          %get3A_225 = arith.constant 0 : index
          %get3A_226 = tpu.vector_load %arg6[%get3A_224, %get3A_225] {strides = array<i32>} : memref<3200x16xf32, #tpu.memory_space<vmem>>, vector<1x16xf32>,
          %get3A_227 = vector.shape_cast %get3A_226 : vector<1x16xf32> to vector<16xf32>
          %add3A_228 = arith.addf %add3A_172, %get3A_227 : vector<16xf32>
          %add3A_229 = arith.constant 11 : i32
          %add3A_230 = arith.addi %add3A_152, %add3A_229 : i32
          %get3A_231 = arith.index_cast %add3A_230 : i32 to index
          %get3A_232 = arith.constant 0 : index
          %get3A_233 = tpu.vector_load %arg6[%get3A_231, %get3A_232] {strides = array<i32>} : memref<3200x16xf32, #tpu.memory_space<vmem>>, vector<1x16xf32>,
          %get3A_234 = vector.shape_cast %get3A_233 : vector<1x16xf32> to vector<16xf32>
          %add3A_235 = arith.addf %add3A_179, %get3A_234 : vector<16xf32>
          %add3A_236 = arith.constant 12 : i32
          %add3A_237 = arith.addi %add3A_152, %add3A_236 : i32
          %get3A_238 = arith.index_cast %add3A_237 : i32 to index
          %get3A_239 = arith.constant 0 : index
          %get3A_240 = tpu.vector_load %arg6[%get3A_238, %get3A_239] {strides = array<i32>} : memref<3200x16xf32, #tpu.memory_space<vmem>>, vector<1x16xf32>,
          %get3A_241 = vector.shape_cast %get3A_240 : vector<1x16xf32> to vector<16xf32>
          %add3A_242 = arith.addf %add3A_186, %get3A_241 : vector<16xf32>
          %add3A_243 = arith.constant 13 : i32
          %add3A_244 = arith.addi %add3A_152, %add3A_243 : i32
          %get3A_245 = arith.index_cast %add3A_244 : i32 to index
          %get3A_246 = arith.constant 0 : index
          %get3A_247 = tpu.vector_load %arg6[%get3A_245, %get3A_246] {strides = array<i32>} : memref<3200x16xf32, #tpu.memory_space<vmem>>, vector<1x16xf32>,
          %get3A_248 = vector.shape_cast %get3A_247 : vector<1x16xf32> to vector<16xf32>
          %add3A_249 = arith.addf %add3A_193, %get3A_248 : vector<16xf32>
          %add3A_250 = arith.constant 14 : i32
          %add3A_251 = arith.addi %add3A_152, %add3A_250 : i32
          %get3A_252 = arith.index_cast %add3A_251 : i32 to index
          %get3A_253 = arith.constant 0 : index
          %get3A_254 = tpu.vector_load %arg6[%get3A_252, %get3A_253] {strides = array<i32>} : memref<3200x16xf32, #tpu.memory_space<vmem>>, vector<1x16xf32>,
          %get3A_255 = vector.shape_cast %get3A_254 : vector<1x16xf32> to vector<16xf32>
          %add3A_256 = arith.addf %add3A_200, %get3A_255 : vector<16xf32>
          %add3A_257 = arith.constant 15 : i32
          %add3A_258 = arith.addi %add3A_152, %add3A_257 : i32
          %get3A_259 = arith.index_cast %add3A_258 : i32 to index
          %get3A_260 = arith.constant 0 : index
          %get3A_261 = tpu.vector_load %arg6[%get3A_259, %get3A_260] {strides = array<i32>} : memref<3200x16xf32, #tpu.memory_space<vmem>>, vector<1x16xf32>,
          %get3A_262 = vector.shape_cast %get3A_261 : vector<1x16xf32> to vector<16xf32>
          %add3A_263 = arith.addf %add3A_207, %get3A_262 : vector<16xf32>
          %add3A_264 = arith.constant 16 : i32
          %add3A_265 = arith.addi %add3A_152, %add3A_264 : i32
          %get3A_266 = arith.index_cast %add3A_265 : i32 to index
          %get3A_267 = arith.constant 0 : index
          %get3A_268 = tpu.vector_load %arg6[%get3A_266, %get3A_267] {strides = array<i32>} : memref<3200x16xf32, #tpu.memory_space<vmem>>, vector<1x16xf32>,
          %get3A_269 = vector.shape_cast %get3A_268 : vector<1x16xf32> to vector<16xf32>
          %add3A_270 = arith.addf %add3A_214, %get3A_269 : vector<16xf32>
          %add3A_271 = arith.constant 17 : i32
          %add3A_272 = arith.addi %add3A_152, %add3A_271 : i32
          %get3A_273 = arith.index_cast %add3A_272 : i32 to index
          %get3A_274 = arith.constant 0 : index
          %get3A_275 = tpu.vector_load %arg6[%get3A_273, %get3A_274] {strides = array<i32>} : memref<3200x16xf32, #tpu.memory_space<vmem>>, vector<1x16xf32>,
          %get3A_276 = vector.shape_cast %get3A_275 : vector<1x16xf32> to vector<16xf32>
          %add3A_277 = arith.addf %add3A_221, %get3A_276 : vector<16xf32>
          %add3A_278 = arith.constant 18 : i32
          %add3A_279 = arith.addi %add3A_152, %add3A_278 : i32
          %get3A_280 = arith.index_cast %add3A_279 : i32 to index
          %get3A_281 = arith.constant 0 : index
          %get3A_282 = tpu.vector_load %arg6[%get3A_280, %get3A_281] {strides = array<i32>} : memref<3200x16xf32, #tpu.memory_space<vmem>>, vector<1x16xf32>,
          %get3A_283 = vector.shape_cast %get3A_282 : vector<1x16xf32> to vector<16xf32>
          %add3A_284 = arith.addf %add3A_228, %get3A_283 : vector<16xf32>
          %add3A_285 = arith.constant 19 : i32
          %add3A_286 = arith.addi %add3A_152, %add3A_285 : i32
          %get3A_287 = arith.index_cast %add3A_286 : i32 to index
          %get3A_288 = arith.constant 0 : index
          %get3A_289 = tpu.vector_load %arg6[%get3A_287, %get3A_288] {strides = array<i32>} : memref<3200x16xf32, #tpu.memory_space<vmem>>, vector<1x16xf32>,
          %get3A_290 = vector.shape_cast %get3A_289 : vector<1x16xf32> to vector<16xf32>
          %add3A_291 = arith.addf %add3A_235, %get3A_290 : vector<16xf32>
          %add3A_292 = arith.constant 20 : i32
          %add3A_293 = arith.addi %add3A_152, %add3A_292 : i32
          %get3A_294 = arith.index_cast %add3A_293 : i32 to index
          %get3A_295 = arith.constant 0 : index
          %get3A_296 = tpu.vector_load %arg6[%get3A_294, %get3A_295] {strides = array<i32>} : memref<3200x16xf32, #tpu.memory_space<vmem>>, vector<1x16xf32>,
          %get3A_297 = vector.shape_cast %get3A_296 : vector<1x16xf32> to vector<16xf32>
          %add3A_298 = arith.addf %add3A_242, %get3A_297 : vector<16xf32>
          %add3A_299 = arith.constant 21 : i32
          %add3A_300 = arith.addi %add3A_152, %add3A_299 : i32
          %get3A_301 = arith.index_cast %add3A_300 : i32 to index
          %get3A_302 = arith.constant 0 : index
          %get3A_303 = tpu.vector_load %arg6[%get3A_301, %get3A_302] {strides = array<i32>} : memref<3200x16xf32, #tpu.memory_space<vmem>>, vector<1x16xf32>,
          %get3A_304 = vector.shape_cast %get3A_303 : vector<1x16xf32> to vector<16xf32>
          %add3A_305 = arith.addf %add3A_249, %get3A_304 : vector<16xf32>
          %add3A_306 = arith.constant 22 : i32
          %add3A_307 = arith.addi %add3A_152, %add3A_306 : i32
          %get3A_308 = arith.index_cast %add3A_307 : i32 to index
          %get3A_309 = arith.constant 0 : index
          %get3A_310 = tpu.vector_load %arg6[%get3A_308, %get3A_309] {strides = array<i32>} : memref<3200x16xf32, #tpu.memory_space<vmem>>, vector<1x16xf32>,
          %get3A_311 = vector.shape_cast %get3A_310 : vector<1x16xf32> to vector<16xf32>
          %add3A_312 = arith.addf %add3A_256, %get3A_311 : vector<16xf32>
          %add3A_313 = arith.constant 23 : i32
          %add3A_314 = arith.addi %add3A_152, %add3A_313 : i32
          %get3A_315 = arith.index_cast %add3A_314 : i32 to index
          %get3A_316 = arith.constant 0 : index
          %get3A_317 = tpu.vector_load %arg6[%get3A_315, %get3A_316] {strides = array<i32>} : memref<3200x16xf32, #tpu.memory_space<vmem>>, vector<1x16xf32>,
          %get3A_318 = vector.shape_cast %get3A_317 : vector<1x16xf32> to vector<16xf32>
          %add3A_319 = arith.addf %add3A_263, %get3A_318 : vector<16xf32>
          %add3A_320 = arith.constant 24 : i32
          %add3A_321 = arith.addi %add3A_152, %add3A_320 : i32
          %get3A_322 = arith.index_cast %add3A_321 : i32 to index
          %get3A_323 = arith.constant 0 : index
          %get3A_324 = tpu.vector_load %arg6[%get3A_322, %get3A_323] {strides = array<i32>} : memref<3200x16xf32, #tpu.memory_space<vmem>>, vector<1x16xf32>,
          %get3A_325 = vector.shape_cast %get3A_324 : vector<1x16xf32> to vector<16xf32>
          %add3A_326 = arith.addf %add3A_270, %get3A_325 : vector<16xf32>
          scf.yield %add3A_326, %add3A_277, %add3A_284, %add3A_291, %add3A_298, %add3A_305, %add3A_312, %add3A_319 : vector<16xf32>, vector<16xf32>, vector<16xf32>, vector<16xf32>, vector<16xf32>, vector<16xf32>, vector<16xf32>, vector<16xf32>
        }
        %scan3A_125 = arith.constant 8 : i32
        %add3A_126 = arith.addf %scan3A_124#0, %scan3A_124#1 : vector<16xf32>
        %add3A_127 = arith.addf %scan3A_124#2, %scan3A_124#3 : vector<16xf32>
        %add3A_128 = arith.addf %scan3A_124#4, %scan3A_124#5 : vector<16xf32>
        %add3A_129 = arith.addf %scan3A_124#6, %scan3A_124#7 : vector<16xf32>
        %add3A_130 = arith.addf %add3A_126, %add3A_127 : vector<16xf32>
        %add3A_131 = arith.addf %add3A_128, %add3A_129 : vector<16xf32>
        %add3A_132 = arith.addf %add3A_130, %add3A_131 : vector<16xf32>
        %mul3A_133 = arith.constant 16 : i32
        %mul3A_134 = arith.muli %add3A_59, %mul3A_133 : i32
        %add3A_135 = arith.addi %mul3A_134, %scan3A_115 : i32
        %swap3A = arith.index_cast %add3A_135 : i32 to index
        %swap3A_136 = arith.constant 0 : index
        %swap3A_137 = tpu.vector_load %arg8[%swap3A, %swap3A_136] {strides = array<i32>} : memref<512x16xf32, #tpu.memory_space<vmem>>, vector<1x16xf32>,
        %swap3A_138 = vector.shape_cast %swap3A_137 : vector<1x16xf32> to vector<16xf32>
        %swap3A_139 = vector.shape_cast %add3A_132 : vector<16xf32> to vector<1x16xf32>
        tpu.vector_store %arg8[%swap3A, %swap3A_136], %swap3A_139 {strides = array<i32>} : memref<512x16xf32, #tpu.memory_space<vmem>>, vector<1x16xf32>,
        %scan3A_140 = arith.constant 0 : i32
        scf.yield %scan3A_140 : i32
      }
      %scan3A_84 = arith.constant 16 : i32
      %mul3A_85 = arith.constant 2 : i32
      %mul3A_86 = arith.muli %mul3A_85, %scan3A_54 : i32
      %add3A_87 = arith.constant 1 : i32
      %add3A_88 = arith.addi %mul3A_86, %add3A_87 : i32
      %dma_wait3A_89 = arith.constant 0 : i32
      %dma_wait3A_90 = arith.constant 0 : i32
      %dma_wait3A_91 = tpu.memref_slice %arg3[%dma_wait3A_89, %dma_wait3A_90] : memref<1015808x16xf32, #tpu.memory_space<hbm>> -> memref<3200x16xf32, #tpu.memory_space<hbm>>
      %dma_wait3A_92 = arith.constant 0 : i32
      %dma_wait3A_93 = arith.constant 0 : i32
      %dma_wait3A_94 = tpu.memref_slice %arg3[%dma_wait3A_92, %dma_wait3A_93] : memref<1015808x16xf32, #tpu.memory_space<hbm>> -> memref<3200x16xf32, #tpu.memory_space<hbm>>
      tpu.wait_dma2 semaphore(%arg10 : memref<!tpu.dma_semaphore, #tpu.memory_space<semaphore_mem>>) src(%dma_wait3A_94 : memref<3200x16xf32, #tpu.memory_space<hbm>>) dst(%arg7 : memref<3200x16xf32, #tpu.memory_space<vmem>>)
      %add3A_95 = arith.constant 1 : i32
      %add3A_96 = arith.addi %add3A_88, %add3A_95 : i32
      %mul3A_97 = arith.constant 25 : i32
      %mul3A_98 = arith.muli %add3A_96, %mul3A_97 : i32
      %add3A_99 = arith.addi %mul3A_2, %mul3A_98 : i32
      "tpu.region"() ({
        %run_scoped3A = tpu.sem_alloc : memref<!tpu.dma_semaphore, #tpu.memory_space<semaphore_mem>>
        %dma_start3A = arith.constant 0 : i32
        %dma_start3A_115 = tpu.memref_slice %arg2[%add3A_99, %dma_start3A] : memref<25600x128xi32, #tpu.memory_space<hbm>> -> memref<25x128xi32, #tpu.memory_space<hbm>>
        %dma_start3A_116 = arith.constant 0 : i32
        %dma_start3A_117 = tpu.memref_slice %arg2[%add3A_99, %dma_start3A_116] : memref<25600x128xi32, #tpu.memory_space<hbm>> -> memref<25x128xi32, #tpu.memory_space<hbm>>
        tpu.enqueue_dma source(%dma_start3A_117 : memref<25x128xi32, #tpu.memory_space<hbm>>) target(%arg5 : memref<25x128xi32, #tpu.memory_space<vmem>>) target_semaphore(%run_scoped3A : memref<!tpu.dma_semaphore, #tpu.memory_space<semaphore_mem>>)
        %dma_wait3A_118 = arith.constant 0 : i32
        %dma_wait3A_119 = tpu.memref_slice %arg2[%add3A_99, %dma_wait3A_118] : memref<25600x128xi32, #tpu.memory_space<hbm>> -> memref<25x128xi32, #tpu.memory_space<hbm>>
        %dma_wait3A_120 = arith.constant 0 : i32
        %dma_wait3A_121 = tpu.memref_slice %arg2[%add3A_99, %dma_wait3A_120] : memref<25600x128xi32, #tpu.memory_space<hbm>> -> memref<25x128xi32, #tpu.memory_space<hbm>>
        tpu.wait_dma2 semaphore(%run_scoped3A : memref<!tpu.dma_semaphore, #tpu.memory_space<semaphore_mem>>) src(%dma_wait3A_121 : memref<25x128xi32, #tpu.memory_space<hbm>>) dst(%arg5 : memref<25x128xi32, #tpu.memory_space<vmem>>)
        tpu.yield
      }) : () -> ()
      %scan3A_100 = arith.constant 0 : i32
      %scan3A_101 = arith.constant 0 : i32
      %scan3A_102 = arith.constant 25 : i32
      %scan3A_103 = arith.addi %scan3A_101, %scan3A_102 : i32
      %scan3A_104 = arith.constant 1 : i32
      %scan3A_105 = scf.for %scan3A_115 = %scan3A_101 to %scan3A_103 step %scan3A_104 iter_args(%scan3A_116 = %scan3A_100) -> (i32)  : i32 {
        %mul3A_117 = arith.constant 128 : i32
        %mul3A_118 = arith.muli %scan3A_115, %mul3A_117 : i32
        %dma_start3A = arith.constant 0 : i32
        %dma_start3A_119 = tpu.memref_slice %arg6[%mul3A_118, %dma_start3A] : memref<3200x16xf32, #tpu.memory_space<vmem>> -> memref<128x16xf32, #tpu.memory_space<vmem>>
        %dma_start3A_120 = arith.constant 0 : i32
        %dma_start3A_121 = tpu.memref_slice %arg5[%scan3A_115, %dma_start3A_120] : memref<25x128xi32, #tpu.memory_space<vmem>> -> memref<1x128xi32, #tpu.memory_space<vmem>>
        %dma_start3A_122 = tpu.memref_squeeze %dma_start3A_121 : memref<1x128xi32, #tpu.memory_space<vmem>> -> memref<128xi32, #tpu.memory_space<vmem>>
        %dma_start3A_123 = arith.constant 0 : i32
        %dma_start3A_124 = arith.constant 0 : i32
        %dma_start3A_125 = tpu.memref_slice %arg3[%dma_start3A_123, %dma_start3A_124] : memref<1015808x16xf32, #tpu.memory_space<hbm>> -> memref<1015808x16xf32, #tpu.memory_space<hbm>>
        tpu.enqueue_indirect_dma source(%dma_start3A_125 : memref<1015808x16xf32, #tpu.memory_space<hbm>>) target(%dma_start3A_119 : memref<128x16xf32, #tpu.memory_space<vmem>>) offsets(%dma_start3A_122 : memref<128xi32, #tpu.memory_space<vmem>>) semaphore(%arg9 : memref<!tpu.dma_semaphore, #tpu.memory_space<semaphore_mem>>)
        %scan3A_126 = arith.constant 0 : i32
        scf.yield %scan3A_126 : i32
      }
      %scan3A_106 = arith.constant 25 : i32
      %scan3A_107 = arith.constant 0 : i32
      %scan3A_108 = arith.constant 0 : i32
      %scan3A_109 = arith.constant 16 : i32
      %scan3A_110 = arith.addi %scan3A_108, %scan3A_109 : i32
      %scan3A_111 = arith.constant 1 : i32
      %scan3A_112 = scf.for %scan3A_115 = %scan3A_108 to %scan3A_110 step %scan3A_111 iter_args(%scan3A_116 = %scan3A_107) -> (i32)  : i32 {
        %mul3A_117 = arith.constant 200 : i32
        %mul3A_118 = arith.muli %scan3A_115, %mul3A_117 : i32
        %broadcast_in_dim3A = arith.constant 0.000000e+00 : f32
        %broadcast_in_dim3A_119 = vector.broadcast %broadcast_in_dim3A : f32 to vector<16xf32>
        %scan3A_120 = arith.constant 0 : i32
        %scan3A_121 = arith.constant 8 : i32
        %scan3A_122 = arith.addi %scan3A_120, %scan3A_121 : i32
        %scan3A_123 = arith.constant 1 : i32
        %scan3A_124:8 = scf.for %scan3A_141 = %scan3A_120 to %scan3A_122 step %scan3A_123 iter_args(%scan3A_142 = %broadcast_in_dim3A_119, %scan3A_143 = %broadcast_in_dim3A_119, %scan3A_144 = %broadcast_in_dim3A_119, %scan3A_145 = %broadcast_in_dim3A_119, %scan3A_146 = %broadcast_in_dim3A_119, %scan3A_147 = %broadcast_in_dim3A_119, %scan3A_148 = %broadcast_in_dim3A_119, %scan3A_149 = %broadcast_in_dim3A_119) -> (vector<16xf32>, vector<16xf32>, vector<16xf32>, vector<16xf32>, vector<16xf32>, vector<16xf32>, vector<16xf32>, vector<16xf32>)  : i32 {
          %mul3A_150 = arith.constant 25 : i32
          %mul3A_151 = arith.muli %scan3A_141, %mul3A_150 : i32
          %add3A_152 = arith.addi %mul3A_118, %mul3A_151 : i32
          %add3A_153 = arith.constant 0 : i32
          %add3A_154 = arith.addi %add3A_152, %add3A_153 : i32
          %get3A = arith.index_cast %add3A_154 : i32 to index
          %get3A_155 = arith.constant 0 : index
          %get3A_156 = tpu.vector_load %arg7[%get3A, %get3A_155] {strides = array<i32>} : memref<3200x16xf32, #tpu.memory_space<vmem>>, vector<1x16xf32>,
          %get3A_157 = vector.shape_cast %get3A_156 : vector<1x16xf32> to vector<16xf32>
          %add3A_158 = arith.addf %scan3A_142, %get3A_157 : vector<16xf32>
          %add3A_159 = arith.constant 1 : i32
          %add3A_160 = arith.addi %add3A_152, %add3A_159 : i32
          %get3A_161 = arith.index_cast %add3A_160 : i32 to index
          %get3A_162 = arith.constant 0 : index
          %get3A_163 = tpu.vector_load %arg7[%get3A_161, %get3A_162] {strides = array<i32>} : memref<3200x16xf32, #tpu.memory_space<vmem>>, vector<1x16xf32>,
          %get3A_164 = vector.shape_cast %get3A_163 : vector<1x16xf32> to vector<16xf32>
          %add3A_165 = arith.addf %scan3A_143, %get3A_164 : vector<16xf32>
          %add3A_166 = arith.constant 2 : i32
          %add3A_167 = arith.addi %add3A_152, %add3A_166 : i32
          %get3A_168 = arith.index_cast %add3A_167 : i32 to index
          %get3A_169 = arith.constant 0 : index
          %get3A_170 = tpu.vector_load %arg7[%get3A_168, %get3A_169] {strides = array<i32>} : memref<3200x16xf32, #tpu.memory_space<vmem>>, vector<1x16xf32>,
          %get3A_171 = vector.shape_cast %get3A_170 : vector<1x16xf32> to vector<16xf32>
          %add3A_172 = arith.addf %scan3A_144, %get3A_171 : vector<16xf32>
          %add3A_173 = arith.constant 3 : i32
          %add3A_174 = arith.addi %add3A_152, %add3A_173 : i32
          %get3A_175 = arith.index_cast %add3A_174 : i32 to index
          %get3A_176 = arith.constant 0 : index
          %get3A_177 = tpu.vector_load %arg7[%get3A_175, %get3A_176] {strides = array<i32>} : memref<3200x16xf32, #tpu.memory_space<vmem>>, vector<1x16xf32>,
          %get3A_178 = vector.shape_cast %get3A_177 : vector<1x16xf32> to vector<16xf32>
          %add3A_179 = arith.addf %scan3A_145, %get3A_178 : vector<16xf32>
          %add3A_180 = arith.constant 4 : i32
          %add3A_181 = arith.addi %add3A_152, %add3A_180 : i32
          %get3A_182 = arith.index_cast %add3A_181 : i32 to index
          %get3A_183 = arith.constant 0 : index
          %get3A_184 = tpu.vector_load %arg7[%get3A_182, %get3A_183] {strides = array<i32>} : memref<3200x16xf32, #tpu.memory_space<vmem>>, vector<1x16xf32>,
          %get3A_185 = vector.shape_cast %get3A_184 : vector<1x16xf32> to vector<16xf32>
          %add3A_186 = arith.addf %scan3A_146, %get3A_185 : vector<16xf32>
          %add3A_187 = arith.constant 5 : i32
          %add3A_188 = arith.addi %add3A_152, %add3A_187 : i32
          %get3A_189 = arith.index_cast %add3A_188 : i32 to index
          %get3A_190 = arith.constant 0 : index
          %get3A_191 = tpu.vector_load %arg7[%get3A_189, %get3A_190] {strides = array<i32>} : memref<3200x16xf32, #tpu.memory_space<vmem>>, vector<1x16xf32>,
          %get3A_192 = vector.shape_cast %get3A_191 : vector<1x16xf32> to vector<16xf32>
          %add3A_193 = arith.addf %scan3A_147, %get3A_192 : vector<16xf32>
          %add3A_194 = arith.constant 6 : i32
          %add3A_195 = arith.addi %add3A_152, %add3A_194 : i32
          %get3A_196 = arith.index_cast %add3A_195 : i32 to index
          %get3A_197 = arith.constant 0 : index
          %get3A_198 = tpu.vector_load %arg7[%get3A_196, %get3A_197] {strides = array<i32>} : memref<3200x16xf32, #tpu.memory_space<vmem>>, vector<1x16xf32>,
          %get3A_199 = vector.shape_cast %get3A_198 : vector<1x16xf32> to vector<16xf32>
          %add3A_200 = arith.addf %scan3A_148, %get3A_199 : vector<16xf32>
          %add3A_201 = arith.constant 7 : i32
          %add3A_202 = arith.addi %add3A_152, %add3A_201 : i32
          %get3A_203 = arith.index_cast %add3A_202 : i32 to index
          %get3A_204 = arith.constant 0 : index
          %get3A_205 = tpu.vector_load %arg7[%get3A_203, %get3A_204] {strides = array<i32>} : memref<3200x16xf32, #tpu.memory_space<vmem>>, vector<1x16xf32>,
          %get3A_206 = vector.shape_cast %get3A_205 : vector<1x16xf32> to vector<16xf32>
          %add3A_207 = arith.addf %scan3A_149, %get3A_206 : vector<16xf32>
          %add3A_208 = arith.constant 8 : i32
          %add3A_209 = arith.addi %add3A_152, %add3A_208 : i32
          %get3A_210 = arith.index_cast %add3A_209 : i32 to index
          %get3A_211 = arith.constant 0 : index
          %get3A_212 = tpu.vector_load %arg7[%get3A_210, %get3A_211] {strides = array<i32>} : memref<3200x16xf32, #tpu.memory_space<vmem>>, vector<1x16xf32>,
          %get3A_213 = vector.shape_cast %get3A_212 : vector<1x16xf32> to vector<16xf32>
          %add3A_214 = arith.addf %add3A_158, %get3A_213 : vector<16xf32>
          %add3A_215 = arith.constant 9 : i32
          %add3A_216 = arith.addi %add3A_152, %add3A_215 : i32
          %get3A_217 = arith.index_cast %add3A_216 : i32 to index
          %get3A_218 = arith.constant 0 : index
          %get3A_219 = tpu.vector_load %arg7[%get3A_217, %get3A_218] {strides = array<i32>} : memref<3200x16xf32, #tpu.memory_space<vmem>>, vector<1x16xf32>,
          %get3A_220 = vector.shape_cast %get3A_219 : vector<1x16xf32> to vector<16xf32>
          %add3A_221 = arith.addf %add3A_165, %get3A_220 : vector<16xf32>
          %add3A_222 = arith.constant 10 : i32
          %add3A_223 = arith.addi %add3A_152, %add3A_222 : i32
          %get3A_224 = arith.index_cast %add3A_223 : i32 to index
          %get3A_225 = arith.constant 0 : index
          %get3A_226 = tpu.vector_load %arg7[%get3A_224, %get3A_225] {strides = array<i32>} : memref<3200x16xf32, #tpu.memory_space<vmem>>, vector<1x16xf32>,
          %get3A_227 = vector.shape_cast %get3A_226 : vector<1x16xf32> to vector<16xf32>
          %add3A_228 = arith.addf %add3A_172, %get3A_227 : vector<16xf32>
          %add3A_229 = arith.constant 11 : i32
          %add3A_230 = arith.addi %add3A_152, %add3A_229 : i32
          %get3A_231 = arith.index_cast %add3A_230 : i32 to index
          %get3A_232 = arith.constant 0 : index
          %get3A_233 = tpu.vector_load %arg7[%get3A_231, %get3A_232] {strides = array<i32>} : memref<3200x16xf32, #tpu.memory_space<vmem>>, vector<1x16xf32>,
          %get3A_234 = vector.shape_cast %get3A_233 : vector<1x16xf32> to vector<16xf32>
          %add3A_235 = arith.addf %add3A_179, %get3A_234 : vector<16xf32>
          %add3A_236 = arith.constant 12 : i32
          %add3A_237 = arith.addi %add3A_152, %add3A_236 : i32
          %get3A_238 = arith.index_cast %add3A_237 : i32 to index
          %get3A_239 = arith.constant 0 : index
          %get3A_240 = tpu.vector_load %arg7[%get3A_238, %get3A_239] {strides = array<i32>} : memref<3200x16xf32, #tpu.memory_space<vmem>>, vector<1x16xf32>,
          %get3A_241 = vector.shape_cast %get3A_240 : vector<1x16xf32> to vector<16xf32>
          %add3A_242 = arith.addf %add3A_186, %get3A_241 : vector<16xf32>
          %add3A_243 = arith.constant 13 : i32
          %add3A_244 = arith.addi %add3A_152, %add3A_243 : i32
          %get3A_245 = arith.index_cast %add3A_244 : i32 to index
          %get3A_246 = arith.constant 0 : index
          %get3A_247 = tpu.vector_load %arg7[%get3A_245, %get3A_246] {strides = array<i32>} : memref<3200x16xf32, #tpu.memory_space<vmem>>, vector<1x16xf32>,
          %get3A_248 = vector.shape_cast %get3A_247 : vector<1x16xf32> to vector<16xf32>
          %add3A_249 = arith.addf %add3A_193, %get3A_248 : vector<16xf32>
          %add3A_250 = arith.constant 14 : i32
          %add3A_251 = arith.addi %add3A_152, %add3A_250 : i32
          %get3A_252 = arith.index_cast %add3A_251 : i32 to index
          %get3A_253 = arith.constant 0 : index
          %get3A_254 = tpu.vector_load %arg7[%get3A_252, %get3A_253] {strides = array<i32>} : memref<3200x16xf32, #tpu.memory_space<vmem>>, vector<1x16xf32>,
          %get3A_255 = vector.shape_cast %get3A_254 : vector<1x16xf32> to vector<16xf32>
          %add3A_256 = arith.addf %add3A_200, %get3A_255 : vector<16xf32>
          %add3A_257 = arith.constant 15 : i32
          %add3A_258 = arith.addi %add3A_152, %add3A_257 : i32
          %get3A_259 = arith.index_cast %add3A_258 : i32 to index
          %get3A_260 = arith.constant 0 : index
          %get3A_261 = tpu.vector_load %arg7[%get3A_259, %get3A_260] {strides = array<i32>} : memref<3200x16xf32, #tpu.memory_space<vmem>>, vector<1x16xf32>,
          %get3A_262 = vector.shape_cast %get3A_261 : vector<1x16xf32> to vector<16xf32>
          %add3A_263 = arith.addf %add3A_207, %get3A_262 : vector<16xf32>
          %add3A_264 = arith.constant 16 : i32
          %add3A_265 = arith.addi %add3A_152, %add3A_264 : i32
          %get3A_266 = arith.index_cast %add3A_265 : i32 to index
          %get3A_267 = arith.constant 0 : index
          %get3A_268 = tpu.vector_load %arg7[%get3A_266, %get3A_267] {strides = array<i32>} : memref<3200x16xf32, #tpu.memory_space<vmem>>, vector<1x16xf32>,
          %get3A_269 = vector.shape_cast %get3A_268 : vector<1x16xf32> to vector<16xf32>
          %add3A_270 = arith.addf %add3A_214, %get3A_269 : vector<16xf32>
          %add3A_271 = arith.constant 17 : i32
          %add3A_272 = arith.addi %add3A_152, %add3A_271 : i32
          %get3A_273 = arith.index_cast %add3A_272 : i32 to index
          %get3A_274 = arith.constant 0 : index
          %get3A_275 = tpu.vector_load %arg7[%get3A_273, %get3A_274] {strides = array<i32>} : memref<3200x16xf32, #tpu.memory_space<vmem>>, vector<1x16xf32>,
          %get3A_276 = vector.shape_cast %get3A_275 : vector<1x16xf32> to vector<16xf32>
          %add3A_277 = arith.addf %add3A_221, %get3A_276 : vector<16xf32>
          %add3A_278 = arith.constant 18 : i32
          %add3A_279 = arith.addi %add3A_152, %add3A_278 : i32
          %get3A_280 = arith.index_cast %add3A_279 : i32 to index
          %get3A_281 = arith.constant 0 : index
          %get3A_282 = tpu.vector_load %arg7[%get3A_280, %get3A_281] {strides = array<i32>} : memref<3200x16xf32, #tpu.memory_space<vmem>>, vector<1x16xf32>,
          %get3A_283 = vector.shape_cast %get3A_282 : vector<1x16xf32> to vector<16xf32>
          %add3A_284 = arith.addf %add3A_228, %get3A_283 : vector<16xf32>
          %add3A_285 = arith.constant 19 : i32
          %add3A_286 = arith.addi %add3A_152, %add3A_285 : i32
          %get3A_287 = arith.index_cast %add3A_286 : i32 to index
          %get3A_288 = arith.constant 0 : index
          %get3A_289 = tpu.vector_load %arg7[%get3A_287, %get3A_288] {strides = array<i32>} : memref<3200x16xf32, #tpu.memory_space<vmem>>, vector<1x16xf32>,
          %get3A_290 = vector.shape_cast %get3A_289 : vector<1x16xf32> to vector<16xf32>
          %add3A_291 = arith.addf %add3A_235, %get3A_290 : vector<16xf32>
          %add3A_292 = arith.constant 20 : i32
          %add3A_293 = arith.addi %add3A_152, %add3A_292 : i32
          %get3A_294 = arith.index_cast %add3A_293 : i32 to index
          %get3A_295 = arith.constant 0 : index
          %get3A_296 = tpu.vector_load %arg7[%get3A_294, %get3A_295] {strides = array<i32>} : memref<3200x16xf32, #tpu.memory_space<vmem>>, vector<1x16xf32>,
          %get3A_297 = vector.shape_cast %get3A_296 : vector<1x16xf32> to vector<16xf32>
          %add3A_298 = arith.addf %add3A_242, %get3A_297 : vector<16xf32>
          %add3A_299 = arith.constant 21 : i32
          %add3A_300 = arith.addi %add3A_152, %add3A_299 : i32
          %get3A_301 = arith.index_cast %add3A_300 : i32 to index
          %get3A_302 = arith.constant 0 : index
          %get3A_303 = tpu.vector_load %arg7[%get3A_301, %get3A_302] {strides = array<i32>} : memref<3200x16xf32, #tpu.memory_space<vmem>>, vector<1x16xf32>,
          %get3A_304 = vector.shape_cast %get3A_303 : vector<1x16xf32> to vector<16xf32>
          %add3A_305 = arith.addf %add3A_249, %get3A_304 : vector<16xf32>
          %add3A_306 = arith.constant 22 : i32
          %add3A_307 = arith.addi %add3A_152, %add3A_306 : i32
          %get3A_308 = arith.index_cast %add3A_307 : i32 to index
          %get3A_309 = arith.constant 0 : index
          %get3A_310 = tpu.vector_load %arg7[%get3A_308, %get3A_309] {strides = array<i32>} : memref<3200x16xf32, #tpu.memory_space<vmem>>, vector<1x16xf32>,
          %get3A_311 = vector.shape_cast %get3A_310 : vector<1x16xf32> to vector<16xf32>
          %add3A_312 = arith.addf %add3A_256, %get3A_311 : vector<16xf32>
          %add3A_313 = arith.constant 23 : i32
          %add3A_314 = arith.addi %add3A_152, %add3A_313 : i32
          %get3A_315 = arith.index_cast %add3A_314 : i32 to index
          %get3A_316 = arith.constant 0 : index
          %get3A_317 = tpu.vector_load %arg7[%get3A_315, %get3A_316] {strides = array<i32>} : memref<3200x16xf32, #tpu.memory_space<vmem>>, vector<1x16xf32>,
          %get3A_318 = vector.shape_cast %get3A_317 : vector<1x16xf32> to vector<16xf32>
          %add3A_319 = arith.addf %add3A_263, %get3A_318 : vector<16xf32>
          %add3A_320 = arith.constant 24 : i32
          %add3A_321 = arith.addi %add3A_152, %add3A_320 : i32
          %get3A_322 = arith.index_cast %add3A_321 : i32 to index
          %get3A_323 = arith.constant 0 : index
          %get3A_324 = tpu.vector_load %arg7[%get3A_322, %get3A_323] {strides = array<i32>} : memref<3200x16xf32, #tpu.memory_space<vmem>>, vector<1x16xf32>,
          %get3A_325 = vector.shape_cast %get3A_324 : vector<1x16xf32> to vector<16xf32>
          %add3A_326 = arith.addf %add3A_270, %get3A_325 : vector<16xf32>
          scf.yield %add3A_326, %add3A_277, %add3A_284, %add3A_291, %add3A_298, %add3A_305, %add3A_312, %add3A_319 : vector<16xf32>, vector<16xf32>, vector<16xf32>, vector<16xf32>, vector<16xf32>, vector<16xf32>, vector<16xf32>, vector<16xf32>
        }
        %scan3A_125 = arith.constant 8 : i32
        %add3A_126 = arith.addf %scan3A_124#0, %scan3A_124#1 : vector<16xf32>
        %add3A_127 = arith.addf %scan3A_124#2, %scan3A_124#3 : vector<16xf32>
        %add3A_128 = arith.addf %scan3A_124#4, %scan3A_124#5 : vector<16xf32>
        %add3A_129 = arith.addf %scan3A_124#6, %scan3A_124#7 : vector<16xf32>
        %add3A_130 = arith.addf %add3A_126, %add3A_127 : vector<16xf32>
        %add3A_131 = arith.addf %add3A_128, %add3A_129 : vector<16xf32>
        %add3A_132 = arith.addf %add3A_130, %add3A_131 : vector<16xf32>
        %mul3A_133 = arith.constant 16 : i32
        %mul3A_134 = arith.muli %add3A_88, %mul3A_133 : i32
        %add3A_135 = arith.addi %mul3A_134, %scan3A_115 : i32
        %swap3A = arith.index_cast %add3A_135 : i32 to index
        %swap3A_136 = arith.constant 0 : index
        %swap3A_137 = tpu.vector_load %arg8[%swap3A, %swap3A_136] {strides = array<i32>} : memref<512x16xf32, #tpu.memory_space<vmem>>, vector<1x16xf32>,
        %swap3A_138 = vector.shape_cast %swap3A_137 : vector<1x16xf32> to vector<16xf32>
        %swap3A_139 = vector.shape_cast %add3A_132 : vector<16xf32> to vector<1x16xf32>
        tpu.vector_store %arg8[%swap3A, %swap3A_136], %swap3A_139 {strides = array<i32>} : memref<512x16xf32, #tpu.memory_space<vmem>>, vector<1x16xf32>,
        %scan3A_140 = arith.constant 0 : i32
        scf.yield %scan3A_140 : i32
      }
      %scan3A_113 = arith.constant 16 : i32
      %scan3A_114 = arith.constant 0 : i32
      scf.yield %scan3A_114 : i32
    }
    %scan3A_17 = arith.constant 15 : i32
    %dma_wait3A = arith.constant 0 : i32
    %dma_wait3A_18 = arith.constant 0 : i32
    %dma_wait3A_19 = tpu.memref_slice %arg3[%dma_wait3A, %dma_wait3A_18] : memref<1015808x16xf32, #tpu.memory_space<hbm>> -> memref<3200x16xf32, #tpu.memory_space<hbm>>
    %dma_wait3A_20 = arith.constant 0 : i32
    %dma_wait3A_21 = arith.constant 0 : i32
    %dma_wait3A_22 = tpu.memref_slice %arg3[%dma_wait3A_20, %dma_wait3A_21] : memref<1015808x16xf32, #tpu.memory_space<hbm>> -> memref<3200x16xf32, #tpu.memory_space<hbm>>
    tpu.wait_dma2 semaphore(%arg9 : memref<!tpu.dma_semaphore, #tpu.memory_space<semaphore_mem>>) src(%dma_wait3A_22 : memref<3200x16xf32, #tpu.memory_space<hbm>>) dst(%arg6 : memref<3200x16xf32, #tpu.memory_space<vmem>>)
    %add3A_23 = arith.constant 775 : i32
    %add3A_24 = arith.addi %mul3A_2, %add3A_23 : i32
    "tpu.region"() ({
      %run_scoped3A = tpu.sem_alloc : memref<!tpu.dma_semaphore, #tpu.memory_space<semaphore_mem>>
      %dma_start3A = arith.constant 0 : i32
      %dma_start3A_54 = tpu.memref_slice %arg2[%add3A_24, %dma_start3A] : memref<25600x128xi32, #tpu.memory_space<hbm>> -> memref<25x128xi32, #tpu.memory_space<hbm>>
      %dma_start3A_55 = arith.constant 0 : i32
      %dma_start3A_56 = tpu.memref_slice %arg2[%add3A_24, %dma_start3A_55] : memref<25600x128xi32, #tpu.memory_space<hbm>> -> memref<25x128xi32, #tpu.memory_space<hbm>>
      tpu.enqueue_dma source(%dma_start3A_56 : memref<25x128xi32, #tpu.memory_space<hbm>>) target(%arg5 : memref<25x128xi32, #tpu.memory_space<vmem>>) target_semaphore(%run_scoped3A : memref<!tpu.dma_semaphore, #tpu.memory_space<semaphore_mem>>)
      %dma_wait3A_57 = arith.constant 0 : i32
      %dma_wait3A_58 = tpu.memref_slice %arg2[%add3A_24, %dma_wait3A_57] : memref<25600x128xi32, #tpu.memory_space<hbm>> -> memref<25x128xi32, #tpu.memory_space<hbm>>
      %dma_wait3A_59 = arith.constant 0 : i32
      %dma_wait3A_60 = tpu.memref_slice %arg2[%add3A_24, %dma_wait3A_59] : memref<25600x128xi32, #tpu.memory_space<hbm>> -> memref<25x128xi32, #tpu.memory_space<hbm>>
      tpu.wait_dma2 semaphore(%run_scoped3A : memref<!tpu.dma_semaphore, #tpu.memory_space<semaphore_mem>>) src(%dma_wait3A_60 : memref<25x128xi32, #tpu.memory_space<hbm>>) dst(%arg5 : memref<25x128xi32, #tpu.memory_space<vmem>>)
      tpu.yield
    }) : () -> ()
    %scan3A_25 = arith.constant 0 : i32
    %scan3A_26 = arith.constant 0 : i32
    %scan3A_27 = arith.constant 25 : i32
    %scan3A_28 = arith.addi %scan3A_26, %scan3A_27 : i32
    %scan3A_29 = arith.constant 1 : i32
    %scan3A_30 = scf.for %scan3A_54 = %scan3A_26 to %scan3A_28 step %scan3A_29 iter_args(%scan3A_55 = %scan3A_25) -> (i32)  : i32 {
      %mul3A_56 = arith.constant 128 : i32
      %mul3A_57 = arith.muli %scan3A_54, %mul3A_56 : i32
      %dma_start3A = arith.constant 0 : i32
      %dma_start3A_58 = tpu.memref_slice %arg7[%mul3A_57, %dma_start3A] : memref<3200x16xf32, #tpu.memory_space<vmem>> -> memref<128x16xf32, #tpu.memory_space<vmem>>
      %dma_start3A_59 = arith.constant 0 : i32
      %dma_start3A_60 = tpu.memref_slice %arg5[%scan3A_54, %dma_start3A_59] : memref<25x128xi32, #tpu.memory_space<vmem>> -> memref<1x128xi32, #tpu.memory_space<vmem>>
      %dma_start3A_61 = tpu.memref_squeeze %dma_start3A_60 : memref<1x128xi32, #tpu.memory_space<vmem>> -> memref<128xi32, #tpu.memory_space<vmem>>
      %dma_start3A_62 = arith.constant 0 : i32
      %dma_start3A_63 = arith.constant 0 : i32
      %dma_start3A_64 = tpu.memref_slice %arg3[%dma_start3A_62, %dma_start3A_63] : memref<1015808x16xf32, #tpu.memory_space<hbm>> -> memref<1015808x16xf32, #tpu.memory_space<hbm>>
      tpu.enqueue_indirect_dma source(%dma_start3A_64 : memref<1015808x16xf32, #tpu.memory_space<hbm>>) target(%dma_start3A_58 : memref<128x16xf32, #tpu.memory_space<vmem>>) offsets(%dma_start3A_61 : memref<128xi32, #tpu.memory_space<vmem>>) semaphore(%arg10 : memref<!tpu.dma_semaphore, #tpu.memory_space<semaphore_mem>>)
      %scan3A_65 = arith.constant 0 : i32
      scf.yield %scan3A_65 : i32
    }
    %scan3A_31 = arith.constant 25 : i32
    %scan3A_32 = arith.constant 0 : i32
    %scan3A_33 = arith.constant 0 : i32
    %scan3A_34 = arith.constant 16 : i32
    %scan3A_35 = arith.addi %scan3A_33, %scan3A_34 : i32
    %scan3A_36 = arith.constant 1 : i32
    %scan3A_37 = scf.for %scan3A_54 = %scan3A_33 to %scan3A_35 step %scan3A_36 iter_args(%scan3A_55 = %scan3A_32) -> (i32)  : i32 {
      %mul3A_56 = arith.constant 200 : i32
      %mul3A_57 = arith.muli %scan3A_54, %mul3A_56 : i32
      %broadcast_in_dim3A = arith.constant 0.000000e+00 : f32
      %broadcast_in_dim3A_58 = vector.broadcast %broadcast_in_dim3A : f32 to vector<16xf32>
      %scan3A_59 = arith.constant 0 : i32
      %scan3A_60 = arith.constant 8 : i32
      %scan3A_61 = arith.addi %scan3A_59, %scan3A_60 : i32
      %scan3A_62 = arith.constant 1 : i32
      %scan3A_63:8 = scf.for %scan3A_79 = %scan3A_59 to %scan3A_61 step %scan3A_62 iter_args(%scan3A_80 = %broadcast_in_dim3A_58, %scan3A_81 = %broadcast_in_dim3A_58, %scan3A_82 = %broadcast_in_dim3A_58, %scan3A_83 = %broadcast_in_dim3A_58, %scan3A_84 = %broadcast_in_dim3A_58, %scan3A_85 = %broadcast_in_dim3A_58, %scan3A_86 = %broadcast_in_dim3A_58, %scan3A_87 = %broadcast_in_dim3A_58) -> (vector<16xf32>, vector<16xf32>, vector<16xf32>, vector<16xf32>, vector<16xf32>, vector<16xf32>, vector<16xf32>, vector<16xf32>)  : i32 {
        %mul3A_88 = arith.constant 25 : i32
        %mul3A_89 = arith.muli %scan3A_79, %mul3A_88 : i32
        %add3A_90 = arith.addi %mul3A_57, %mul3A_89 : i32
        %add3A_91 = arith.constant 0 : i32
        %add3A_92 = arith.addi %add3A_90, %add3A_91 : i32
        %get3A = arith.index_cast %add3A_92 : i32 to index
        %get3A_93 = arith.constant 0 : index
        %get3A_94 = tpu.vector_load %arg6[%get3A, %get3A_93] {strides = array<i32>} : memref<3200x16xf32, #tpu.memory_space<vmem>>, vector<1x16xf32>,
        %get3A_95 = vector.shape_cast %get3A_94 : vector<1x16xf32> to vector<16xf32>
        %add3A_96 = arith.addf %scan3A_80, %get3A_95 : vector<16xf32>
        %add3A_97 = arith.constant 1 : i32
        %add3A_98 = arith.addi %add3A_90, %add3A_97 : i32
        %get3A_99 = arith.index_cast %add3A_98 : i32 to index
        %get3A_100 = arith.constant 0 : index
        %get3A_101 = tpu.vector_load %arg6[%get3A_99, %get3A_100] {strides = array<i32>} : memref<3200x16xf32, #tpu.memory_space<vmem>>, vector<1x16xf32>,
        %get3A_102 = vector.shape_cast %get3A_101 : vector<1x16xf32> to vector<16xf32>
        %add3A_103 = arith.addf %scan3A_81, %get3A_102 : vector<16xf32>
        %add3A_104 = arith.constant 2 : i32
        %add3A_105 = arith.addi %add3A_90, %add3A_104 : i32
        %get3A_106 = arith.index_cast %add3A_105 : i32 to index
        %get3A_107 = arith.constant 0 : index
        %get3A_108 = tpu.vector_load %arg6[%get3A_106, %get3A_107] {strides = array<i32>} : memref<3200x16xf32, #tpu.memory_space<vmem>>, vector<1x16xf32>,
        %get3A_109 = vector.shape_cast %get3A_108 : vector<1x16xf32> to vector<16xf32>
        %add3A_110 = arith.addf %scan3A_82, %get3A_109 : vector<16xf32>
        %add3A_111 = arith.constant 3 : i32
        %add3A_112 = arith.addi %add3A_90, %add3A_111 : i32
        %get3A_113 = arith.index_cast %add3A_112 : i32 to index
        %get3A_114 = arith.constant 0 : index
        %get3A_115 = tpu.vector_load %arg6[%get3A_113, %get3A_114] {strides = array<i32>} : memref<3200x16xf32, #tpu.memory_space<vmem>>, vector<1x16xf32>,
        %get3A_116 = vector.shape_cast %get3A_115 : vector<1x16xf32> to vector<16xf32>
        %add3A_117 = arith.addf %scan3A_83, %get3A_116 : vector<16xf32>
        %add3A_118 = arith.constant 4 : i32
        %add3A_119 = arith.addi %add3A_90, %add3A_118 : i32
        %get3A_120 = arith.index_cast %add3A_119 : i32 to index
        %get3A_121 = arith.constant 0 : index
        %get3A_122 = tpu.vector_load %arg6[%get3A_120, %get3A_121] {strides = array<i32>} : memref<3200x16xf32, #tpu.memory_space<vmem>>, vector<1x16xf32>,
        %get3A_123 = vector.shape_cast %get3A_122 : vector<1x16xf32> to vector<16xf32>
        %add3A_124 = arith.addf %scan3A_84, %get3A_123 : vector<16xf32>
        %add3A_125 = arith.constant 5 : i32
        %add3A_126 = arith.addi %add3A_90, %add3A_125 : i32
        %get3A_127 = arith.index_cast %add3A_126 : i32 to index
        %get3A_128 = arith.constant 0 : index
        %get3A_129 = tpu.vector_load %arg6[%get3A_127, %get3A_128] {strides = array<i32>} : memref<3200x16xf32, #tpu.memory_space<vmem>>, vector<1x16xf32>,
        %get3A_130 = vector.shape_cast %get3A_129 : vector<1x16xf32> to vector<16xf32>
        %add3A_131 = arith.addf %scan3A_85, %get3A_130 : vector<16xf32>
        %add3A_132 = arith.constant 6 : i32
        %add3A_133 = arith.addi %add3A_90, %add3A_132 : i32
        %get3A_134 = arith.index_cast %add3A_133 : i32 to index
        %get3A_135 = arith.constant 0 : index
        %get3A_136 = tpu.vector_load %arg6[%get3A_134, %get3A_135] {strides = array<i32>} : memref<3200x16xf32, #tpu.memory_space<vmem>>, vector<1x16xf32>,
        %get3A_137 = vector.shape_cast %get3A_136 : vector<1x16xf32> to vector<16xf32>
        %add3A_138 = arith.addf %scan3A_86, %get3A_137 : vector<16xf32>
        %add3A_139 = arith.constant 7 : i32
        %add3A_140 = arith.addi %add3A_90, %add3A_139 : i32
        %get3A_141 = arith.index_cast %add3A_140 : i32 to index
        %get3A_142 = arith.constant 0 : index
        %get3A_143 = tpu.vector_load %arg6[%get3A_141, %get3A_142] {strides = array<i32>} : memref<3200x16xf32, #tpu.memory_space<vmem>>, vector<1x16xf32>,
        %get3A_144 = vector.shape_cast %get3A_143 : vector<1x16xf32> to vector<16xf32>
        %add3A_145 = arith.addf %scan3A_87, %get3A_144 : vector<16xf32>
        %add3A_146 = arith.constant 8 : i32
        %add3A_147 = arith.addi %add3A_90, %add3A_146 : i32
        %get3A_148 = arith.index_cast %add3A_147 : i32 to index
        %get3A_149 = arith.constant 0 : index
        %get3A_150 = tpu.vector_load %arg6[%get3A_148, %get3A_149] {strides = array<i32>} : memref<3200x16xf32, #tpu.memory_space<vmem>>, vector<1x16xf32>,
        %get3A_151 = vector.shape_cast %get3A_150 : vector<1x16xf32> to vector<16xf32>
        %add3A_152 = arith.addf %add3A_96, %get3A_151 : vector<16xf32>
        %add3A_153 = arith.constant 9 : i32
        %add3A_154 = arith.addi %add3A_90, %add3A_153 : i32
        %get3A_155 = arith.index_cast %add3A_154 : i32 to index
        %get3A_156 = arith.constant 0 : index
        %get3A_157 = tpu.vector_load %arg6[%get3A_155, %get3A_156] {strides = array<i32>} : memref<3200x16xf32, #tpu.memory_space<vmem>>, vector<1x16xf32>,
        %get3A_158 = vector.shape_cast %get3A_157 : vector<1x16xf32> to vector<16xf32>
        %add3A_159 = arith.addf %add3A_103, %get3A_158 : vector<16xf32>
        %add3A_160 = arith.constant 10 : i32
        %add3A_161 = arith.addi %add3A_90, %add3A_160 : i32
        %get3A_162 = arith.index_cast %add3A_161 : i32 to index
        %get3A_163 = arith.constant 0 : index
        %get3A_164 = tpu.vector_load %arg6[%get3A_162, %get3A_163] {strides = array<i32>} : memref<3200x16xf32, #tpu.memory_space<vmem>>, vector<1x16xf32>,
        %get3A_165 = vector.shape_cast %get3A_164 : vector<1x16xf32> to vector<16xf32>
        %add3A_166 = arith.addf %add3A_110, %get3A_165 : vector<16xf32>
        %add3A_167 = arith.constant 11 : i32
        %add3A_168 = arith.addi %add3A_90, %add3A_167 : i32
        %get3A_169 = arith.index_cast %add3A_168 : i32 to index
        %get3A_170 = arith.constant 0 : index
        %get3A_171 = tpu.vector_load %arg6[%get3A_169, %get3A_170] {strides = array<i32>} : memref<3200x16xf32, #tpu.memory_space<vmem>>, vector<1x16xf32>,
        %get3A_172 = vector.shape_cast %get3A_171 : vector<1x16xf32> to vector<16xf32>
        %add3A_173 = arith.addf %add3A_117, %get3A_172 : vector<16xf32>
        %add3A_174 = arith.constant 12 : i32
        %add3A_175 = arith.addi %add3A_90, %add3A_174 : i32
        %get3A_176 = arith.index_cast %add3A_175 : i32 to index
        %get3A_177 = arith.constant 0 : index
        %get3A_178 = tpu.vector_load %arg6[%get3A_176, %get3A_177] {strides = array<i32>} : memref<3200x16xf32, #tpu.memory_space<vmem>>, vector<1x16xf32>,
        %get3A_179 = vector.shape_cast %get3A_178 : vector<1x16xf32> to vector<16xf32>
        %add3A_180 = arith.addf %add3A_124, %get3A_179 : vector<16xf32>
        %add3A_181 = arith.constant 13 : i32
        %add3A_182 = arith.addi %add3A_90, %add3A_181 : i32
        %get3A_183 = arith.index_cast %add3A_182 : i32 to index
        %get3A_184 = arith.constant 0 : index
        %get3A_185 = tpu.vector_load %arg6[%get3A_183, %get3A_184] {strides = array<i32>} : memref<3200x16xf32, #tpu.memory_space<vmem>>, vector<1x16xf32>,
        %get3A_186 = vector.shape_cast %get3A_185 : vector<1x16xf32> to vector<16xf32>
        %add3A_187 = arith.addf %add3A_131, %get3A_186 : vector<16xf32>
        %add3A_188 = arith.constant 14 : i32
        %add3A_189 = arith.addi %add3A_90, %add3A_188 : i32
        %get3A_190 = arith.index_cast %add3A_189 : i32 to index
        %get3A_191 = arith.constant 0 : index
        %get3A_192 = tpu.vector_load %arg6[%get3A_190, %get3A_191] {strides = array<i32>} : memref<3200x16xf32, #tpu.memory_space<vmem>>, vector<1x16xf32>,
        %get3A_193 = vector.shape_cast %get3A_192 : vector<1x16xf32> to vector<16xf32>
        %add3A_194 = arith.addf %add3A_138, %get3A_193 : vector<16xf32>
        %add3A_195 = arith.constant 15 : i32
        %add3A_196 = arith.addi %add3A_90, %add3A_195 : i32
        %get3A_197 = arith.index_cast %add3A_196 : i32 to index
        %get3A_198 = arith.constant 0 : index
        %get3A_199 = tpu.vector_load %arg6[%get3A_197, %get3A_198] {strides = array<i32>} : memref<3200x16xf32, #tpu.memory_space<vmem>>, vector<1x16xf32>,
        %get3A_200 = vector.shape_cast %get3A_199 : vector<1x16xf32> to vector<16xf32>
        %add3A_201 = arith.addf %add3A_145, %get3A_200 : vector<16xf32>
        %add3A_202 = arith.constant 16 : i32
        %add3A_203 = arith.addi %add3A_90, %add3A_202 : i32
        %get3A_204 = arith.index_cast %add3A_203 : i32 to index
        %get3A_205 = arith.constant 0 : index
        %get3A_206 = tpu.vector_load %arg6[%get3A_204, %get3A_205] {strides = array<i32>} : memref<3200x16xf32, #tpu.memory_space<vmem>>, vector<1x16xf32>,
        %get3A_207 = vector.shape_cast %get3A_206 : vector<1x16xf32> to vector<16xf32>
        %add3A_208 = arith.addf %add3A_152, %get3A_207 : vector<16xf32>
        %add3A_209 = arith.constant 17 : i32
        %add3A_210 = arith.addi %add3A_90, %add3A_209 : i32
        %get3A_211 = arith.index_cast %add3A_210 : i32 to index
        %get3A_212 = arith.constant 0 : index
        %get3A_213 = tpu.vector_load %arg6[%get3A_211, %get3A_212] {strides = array<i32>} : memref<3200x16xf32, #tpu.memory_space<vmem>>, vector<1x16xf32>,
        %get3A_214 = vector.shape_cast %get3A_213 : vector<1x16xf32> to vector<16xf32>
        %add3A_215 = arith.addf %add3A_159, %get3A_214 : vector<16xf32>
        %add3A_216 = arith.constant 18 : i32
        %add3A_217 = arith.addi %add3A_90, %add3A_216 : i32
        %get3A_218 = arith.index_cast %add3A_217 : i32 to index
        %get3A_219 = arith.constant 0 : index
        %get3A_220 = tpu.vector_load %arg6[%get3A_218, %get3A_219] {strides = array<i32>} : memref<3200x16xf32, #tpu.memory_space<vmem>>, vector<1x16xf32>,
        %get3A_221 = vector.shape_cast %get3A_220 : vector<1x16xf32> to vector<16xf32>
        %add3A_222 = arith.addf %add3A_166, %get3A_221 : vector<16xf32>
        %add3A_223 = arith.constant 19 : i32
        %add3A_224 = arith.addi %add3A_90, %add3A_223 : i32
        %get3A_225 = arith.index_cast %add3A_224 : i32 to index
        %get3A_226 = arith.constant 0 : index
        %get3A_227 = tpu.vector_load %arg6[%get3A_225, %get3A_226] {strides = array<i32>} : memref<3200x16xf32, #tpu.memory_space<vmem>>, vector<1x16xf32>,
        %get3A_228 = vector.shape_cast %get3A_227 : vector<1x16xf32> to vector<16xf32>
        %add3A_229 = arith.addf %add3A_173, %get3A_228 : vector<16xf32>
        %add3A_230 = arith.constant 20 : i32
        %add3A_231 = arith.addi %add3A_90, %add3A_230 : i32
        %get3A_232 = arith.index_cast %add3A_231 : i32 to index
        %get3A_233 = arith.constant 0 : index
        %get3A_234 = tpu.vector_load %arg6[%get3A_232, %get3A_233] {strides = array<i32>} : memref<3200x16xf32, #tpu.memory_space<vmem>>, vector<1x16xf32>,
        %get3A_235 = vector.shape_cast %get3A_234 : vector<1x16xf32> to vector<16xf32>
        %add3A_236 = arith.addf %add3A_180, %get3A_235 : vector<16xf32>
        %add3A_237 = arith.constant 21 : i32
        %add3A_238 = arith.addi %add3A_90, %add3A_237 : i32
        %get3A_239 = arith.index_cast %add3A_238 : i32 to index
        %get3A_240 = arith.constant 0 : index
        %get3A_241 = tpu.vector_load %arg6[%get3A_239, %get3A_240] {strides = array<i32>} : memref<3200x16xf32, #tpu.memory_space<vmem>>, vector<1x16xf32>,
        %get3A_242 = vector.shape_cast %get3A_241 : vector<1x16xf32> to vector<16xf32>
        %add3A_243 = arith.addf %add3A_187, %get3A_242 : vector<16xf32>
        %add3A_244 = arith.constant 22 : i32
        %add3A_245 = arith.addi %add3A_90, %add3A_244 : i32
        %get3A_246 = arith.index_cast %add3A_245 : i32 to index
        %get3A_247 = arith.constant 0 : index
        %get3A_248 = tpu.vector_load %arg6[%get3A_246, %get3A_247] {strides = array<i32>} : memref<3200x16xf32, #tpu.memory_space<vmem>>, vector<1x16xf32>,
        %get3A_249 = vector.shape_cast %get3A_248 : vector<1x16xf32> to vector<16xf32>
        %add3A_250 = arith.addf %add3A_194, %get3A_249 : vector<16xf32>
        %add3A_251 = arith.constant 23 : i32
        %add3A_252 = arith.addi %add3A_90, %add3A_251 : i32
        %get3A_253 = arith.index_cast %add3A_252 : i32 to index
        %get3A_254 = arith.constant 0 : index
        %get3A_255 = tpu.vector_load %arg6[%get3A_253, %get3A_254] {strides = array<i32>} : memref<3200x16xf32, #tpu.memory_space<vmem>>, vector<1x16xf32>,
        %get3A_256 = vector.shape_cast %get3A_255 : vector<1x16xf32> to vector<16xf32>
        %add3A_257 = arith.addf %add3A_201, %get3A_256 : vector<16xf32>
        %add3A_258 = arith.constant 24 : i32
        %add3A_259 = arith.addi %add3A_90, %add3A_258 : i32
        %get3A_260 = arith.index_cast %add3A_259 : i32 to index
        %get3A_261 = arith.constant 0 : index
        %get3A_262 = tpu.vector_load %arg6[%get3A_260, %get3A_261] {strides = array<i32>} : memref<3200x16xf32, #tpu.memory_space<vmem>>, vector<1x16xf32>,
        %get3A_263 = vector.shape_cast %get3A_262 : vector<1x16xf32> to vector<16xf32>
        %add3A_264 = arith.addf %add3A_208, %get3A_263 : vector<16xf32>
        scf.yield %add3A_264, %add3A_215, %add3A_222, %add3A_229, %add3A_236, %add3A_243, %add3A_250, %add3A_257 : vector<16xf32>, vector<16xf32>, vector<16xf32>, vector<16xf32>, vector<16xf32>, vector<16xf32>, vector<16xf32>, vector<16xf32>
      }
      %scan3A_64 = arith.constant 8 : i32
      %add3A_65 = arith.addf %scan3A_63#0, %scan3A_63#1 : vector<16xf32>
      %add3A_66 = arith.addf %scan3A_63#2, %scan3A_63#3 : vector<16xf32>
      %add3A_67 = arith.addf %scan3A_63#4, %scan3A_63#5 : vector<16xf32>
      %add3A_68 = arith.addf %scan3A_63#6, %scan3A_63#7 : vector<16xf32>
      %add3A_69 = arith.addf %add3A_65, %add3A_66 : vector<16xf32>
      %add3A_70 = arith.addf %add3A_67, %add3A_68 : vector<16xf32>
      %add3A_71 = arith.addf %add3A_69, %add3A_70 : vector<16xf32>
      %add3A_72 = arith.constant 480 : i32
      %add3A_73 = arith.addi %add3A_72, %scan3A_54 : i32
      %swap3A = arith.index_cast %add3A_73 : i32 to index
      %swap3A_74 = arith.constant 0 : index
      %swap3A_75 = tpu.vector_load %arg8[%swap3A, %swap3A_74] {strides = array<i32>} : memref<512x16xf32, #tpu.memory_space<vmem>>, vector<1x16xf32>,
      %swap3A_76 = vector.shape_cast %swap3A_75 : vector<1x16xf32> to vector<16xf32>
      %swap3A_77 = vector.shape_cast %add3A_71 : vector<16xf32> to vector<1x16xf32>
      tpu.vector_store %arg8[%swap3A, %swap3A_74], %swap3A_77 {strides = array<i32>} : memref<512x16xf32, #tpu.memory_space<vmem>>, vector<1x16xf32>,
      %scan3A_78 = arith.constant 0 : i32
      scf.yield %scan3A_78 : i32
    }
    %scan3A_38 = arith.constant 16 : i32
    %dma_wait3A_39 = arith.constant 0 : i32
    %dma_wait3A_40 = arith.constant 0 : i32
    %dma_wait3A_41 = tpu.memref_slice %arg3[%dma_wait3A_39, %dma_wait3A_40] : memref<1015808x16xf32, #tpu.memory_space<hbm>> -> memref<3200x16xf32, #tpu.memory_space<hbm>>
    %dma_wait3A_42 = arith.constant 0 : i32
    %dma_wait3A_43 = arith.constant 0 : i32
    %dma_wait3A_44 = tpu.memref_slice %arg3[%dma_wait3A_42, %dma_wait3A_43] : memref<1015808x16xf32, #tpu.memory_space<hbm>> -> memref<3200x16xf32, #tpu.memory_space<hbm>>
    tpu.wait_dma2 semaphore(%arg10 : memref<!tpu.dma_semaphore, #tpu.memory_space<semaphore_mem>>) src(%dma_wait3A_44 : memref<3200x16xf32, #tpu.memory_space<hbm>>) dst(%arg7 : memref<3200x16xf32, #tpu.memory_space<vmem>>)
    %scan3A_45 = arith.constant 0 : i32
    %scan3A_46 = arith.constant 0 : i32
    %scan3A_47 = arith.constant 16 : i32
    %scan3A_48 = arith.addi %scan3A_46, %scan3A_47 : i32
    %scan3A_49 = arith.constant 1 : i32
    %scan3A_50 = scf.for %scan3A_54 = %scan3A_46 to %scan3A_48 step %scan3A_49 iter_args(%scan3A_55 = %scan3A_45) -> (i32)  : i32 {
      %mul3A_56 = arith.constant 200 : i32
      %mul3A_57 = arith.muli %scan3A_54, %mul3A_56 : i32
      %broadcast_in_dim3A = arith.constant 0.000000e+00 : f32
      %broadcast_in_dim3A_58 = vector.broadcast %broadcast_in_dim3A : f32 to vector<16xf32>
      %scan3A_59 = arith.constant 0 : i32
      %scan3A_60 = arith.constant 8 : i32
      %scan3A_61 = arith.addi %scan3A_59, %scan3A_60 : i32
      %scan3A_62 = arith.constant 1 : i32
      %scan3A_63:8 = scf.for %scan3A_79 = %scan3A_59 to %scan3A_61 step %scan3A_62 iter_args(%scan3A_80 = %broadcast_in_dim3A_58, %scan3A_81 = %broadcast_in_dim3A_58, %scan3A_82 = %broadcast_in_dim3A_58, %scan3A_83 = %broadcast_in_dim3A_58, %scan3A_84 = %broadcast_in_dim3A_58, %scan3A_85 = %broadcast_in_dim3A_58, %scan3A_86 = %broadcast_in_dim3A_58, %scan3A_87 = %broadcast_in_dim3A_58) -> (vector<16xf32>, vector<16xf32>, vector<16xf32>, vector<16xf32>, vector<16xf32>, vector<16xf32>, vector<16xf32>, vector<16xf32>)  : i32 {
        %mul3A_88 = arith.constant 25 : i32
        %mul3A_89 = arith.muli %scan3A_79, %mul3A_88 : i32
        %add3A_90 = arith.addi %mul3A_57, %mul3A_89 : i32
        %add3A_91 = arith.constant 0 : i32
        %add3A_92 = arith.addi %add3A_90, %add3A_91 : i32
        %get3A = arith.index_cast %add3A_92 : i32 to index
        %get3A_93 = arith.constant 0 : index
        %get3A_94 = tpu.vector_load %arg7[%get3A, %get3A_93] {strides = array<i32>} : memref<3200x16xf32, #tpu.memory_space<vmem>>, vector<1x16xf32>,
        %get3A_95 = vector.shape_cast %get3A_94 : vector<1x16xf32> to vector<16xf32>
        %add3A_96 = arith.addf %scan3A_80, %get3A_95 : vector<16xf32>
        %add3A_97 = arith.constant 1 : i32
        %add3A_98 = arith.addi %add3A_90, %add3A_97 : i32
        %get3A_99 = arith.index_cast %add3A_98 : i32 to index
        %get3A_100 = arith.constant 0 : index
        %get3A_101 = tpu.vector_load %arg7[%get3A_99, %get3A_100] {strides = array<i32>} : memref<3200x16xf32, #tpu.memory_space<vmem>>, vector<1x16xf32>,
        %get3A_102 = vector.shape_cast %get3A_101 : vector<1x16xf32> to vector<16xf32>
        %add3A_103 = arith.addf %scan3A_81, %get3A_102 : vector<16xf32>
        %add3A_104 = arith.constant 2 : i32
        %add3A_105 = arith.addi %add3A_90, %add3A_104 : i32
        %get3A_106 = arith.index_cast %add3A_105 : i32 to index
        %get3A_107 = arith.constant 0 : index
        %get3A_108 = tpu.vector_load %arg7[%get3A_106, %get3A_107] {strides = array<i32>} : memref<3200x16xf32, #tpu.memory_space<vmem>>, vector<1x16xf32>,
        %get3A_109 = vector.shape_cast %get3A_108 : vector<1x16xf32> to vector<16xf32>
        %add3A_110 = arith.addf %scan3A_82, %get3A_109 : vector<16xf32>
        %add3A_111 = arith.constant 3 : i32
        %add3A_112 = arith.addi %add3A_90, %add3A_111 : i32
        %get3A_113 = arith.index_cast %add3A_112 : i32 to index
        %get3A_114 = arith.constant 0 : index
        %get3A_115 = tpu.vector_load %arg7[%get3A_113, %get3A_114] {strides = array<i32>} : memref<3200x16xf32, #tpu.memory_space<vmem>>, vector<1x16xf32>,
        %get3A_116 = vector.shape_cast %get3A_115 : vector<1x16xf32> to vector<16xf32>
        %add3A_117 = arith.addf %scan3A_83, %get3A_116 : vector<16xf32>
        %add3A_118 = arith.constant 4 : i32
        %add3A_119 = arith.addi %add3A_90, %add3A_118 : i32
        %get3A_120 = arith.index_cast %add3A_119 : i32 to index
        %get3A_121 = arith.constant 0 : index
        %get3A_122 = tpu.vector_load %arg7[%get3A_120, %get3A_121] {strides = array<i32>} : memref<3200x16xf32, #tpu.memory_space<vmem>>, vector<1x16xf32>,
        %get3A_123 = vector.shape_cast %get3A_122 : vector<1x16xf32> to vector<16xf32>
        %add3A_124 = arith.addf %scan3A_84, %get3A_123 : vector<16xf32>
        %add3A_125 = arith.constant 5 : i32
        %add3A_126 = arith.addi %add3A_90, %add3A_125 : i32
        %get3A_127 = arith.index_cast %add3A_126 : i32 to index
        %get3A_128 = arith.constant 0 : index
        %get3A_129 = tpu.vector_load %arg7[%get3A_127, %get3A_128] {strides = array<i32>} : memref<3200x16xf32, #tpu.memory_space<vmem>>, vector<1x16xf32>,
        %get3A_130 = vector.shape_cast %get3A_129 : vector<1x16xf32> to vector<16xf32>
        %add3A_131 = arith.addf %scan3A_85, %get3A_130 : vector<16xf32>
        %add3A_132 = arith.constant 6 : i32
        %add3A_133 = arith.addi %add3A_90, %add3A_132 : i32
        %get3A_134 = arith.index_cast %add3A_133 : i32 to index
        %get3A_135 = arith.constant 0 : index
        %get3A_136 = tpu.vector_load %arg7[%get3A_134, %get3A_135] {strides = array<i32>} : memref<3200x16xf32, #tpu.memory_space<vmem>>, vector<1x16xf32>,
        %get3A_137 = vector.shape_cast %get3A_136 : vector<1x16xf32> to vector<16xf32>
        %add3A_138 = arith.addf %scan3A_86, %get3A_137 : vector<16xf32>
        %add3A_139 = arith.constant 7 : i32
        %add3A_140 = arith.addi %add3A_90, %add3A_139 : i32
        %get3A_141 = arith.index_cast %add3A_140 : i32 to index
        %get3A_142 = arith.constant 0 : index
        %get3A_143 = tpu.vector_load %arg7[%get3A_141, %get3A_142] {strides = array<i32>} : memref<3200x16xf32, #tpu.memory_space<vmem>>, vector<1x16xf32>,
        %get3A_144 = vector.shape_cast %get3A_143 : vector<1x16xf32> to vector<16xf32>
        %add3A_145 = arith.addf %scan3A_87, %get3A_144 : vector<16xf32>
        %add3A_146 = arith.constant 8 : i32
        %add3A_147 = arith.addi %add3A_90, %add3A_146 : i32
        %get3A_148 = arith.index_cast %add3A_147 : i32 to index
        %get3A_149 = arith.constant 0 : index
        %get3A_150 = tpu.vector_load %arg7[%get3A_148, %get3A_149] {strides = array<i32>} : memref<3200x16xf32, #tpu.memory_space<vmem>>, vector<1x16xf32>,
        %get3A_151 = vector.shape_cast %get3A_150 : vector<1x16xf32> to vector<16xf32>
        %add3A_152 = arith.addf %add3A_96, %get3A_151 : vector<16xf32>
        %add3A_153 = arith.constant 9 : i32
        %add3A_154 = arith.addi %add3A_90, %add3A_153 : i32
        %get3A_155 = arith.index_cast %add3A_154 : i32 to index
        %get3A_156 = arith.constant 0 : index
        %get3A_157 = tpu.vector_load %arg7[%get3A_155, %get3A_156] {strides = array<i32>} : memref<3200x16xf32, #tpu.memory_space<vmem>>, vector<1x16xf32>,
        %get3A_158 = vector.shape_cast %get3A_157 : vector<1x16xf32> to vector<16xf32>
        %add3A_159 = arith.addf %add3A_103, %get3A_158 : vector<16xf32>
        %add3A_160 = arith.constant 10 : i32
        %add3A_161 = arith.addi %add3A_90, %add3A_160 : i32
        %get3A_162 = arith.index_cast %add3A_161 : i32 to index
        %get3A_163 = arith.constant 0 : index
        %get3A_164 = tpu.vector_load %arg7[%get3A_162, %get3A_163] {strides = array<i32>} : memref<3200x16xf32, #tpu.memory_space<vmem>>, vector<1x16xf32>,
        %get3A_165 = vector.shape_cast %get3A_164 : vector<1x16xf32> to vector<16xf32>
        %add3A_166 = arith.addf %add3A_110, %get3A_165 : vector<16xf32>
        %add3A_167 = arith.constant 11 : i32
        %add3A_168 = arith.addi %add3A_90, %add3A_167 : i32
        %get3A_169 = arith.index_cast %add3A_168 : i32 to index
        %get3A_170 = arith.constant 0 : index
        %get3A_171 = tpu.vector_load %arg7[%get3A_169, %get3A_170] {strides = array<i32>} : memref<3200x16xf32, #tpu.memory_space<vmem>>, vector<1x16xf32>,
        %get3A_172 = vector.shape_cast %get3A_171 : vector<1x16xf32> to vector<16xf32>
        %add3A_173 = arith.addf %add3A_117, %get3A_172 : vector<16xf32>
        %add3A_174 = arith.constant 12 : i32
        %add3A_175 = arith.addi %add3A_90, %add3A_174 : i32
        %get3A_176 = arith.index_cast %add3A_175 : i32 to index
        %get3A_177 = arith.constant 0 : index
        %get3A_178 = tpu.vector_load %arg7[%get3A_176, %get3A_177] {strides = array<i32>} : memref<3200x16xf32, #tpu.memory_space<vmem>>, vector<1x16xf32>,
        %get3A_179 = vector.shape_cast %get3A_178 : vector<1x16xf32> to vector<16xf32>
        %add3A_180 = arith.addf %add3A_124, %get3A_179 : vector<16xf32>
        %add3A_181 = arith.constant 13 : i32
        %add3A_182 = arith.addi %add3A_90, %add3A_181 : i32
        %get3A_183 = arith.index_cast %add3A_182 : i32 to index
        %get3A_184 = arith.constant 0 : index
        %get3A_185 = tpu.vector_load %arg7[%get3A_183, %get3A_184] {strides = array<i32>} : memref<3200x16xf32, #tpu.memory_space<vmem>>, vector<1x16xf32>,
        %get3A_186 = vector.shape_cast %get3A_185 : vector<1x16xf32> to vector<16xf32>
        %add3A_187 = arith.addf %add3A_131, %get3A_186 : vector<16xf32>
        %add3A_188 = arith.constant 14 : i32
        %add3A_189 = arith.addi %add3A_90, %add3A_188 : i32
        %get3A_190 = arith.index_cast %add3A_189 : i32 to index
        %get3A_191 = arith.constant 0 : index
        %get3A_192 = tpu.vector_load %arg7[%get3A_190, %get3A_191] {strides = array<i32>} : memref<3200x16xf32, #tpu.memory_space<vmem>>, vector<1x16xf32>,
        %get3A_193 = vector.shape_cast %get3A_192 : vector<1x16xf32> to vector<16xf32>
        %add3A_194 = arith.addf %add3A_138, %get3A_193 : vector<16xf32>
        %add3A_195 = arith.constant 15 : i32
        %add3A_196 = arith.addi %add3A_90, %add3A_195 : i32
        %get3A_197 = arith.index_cast %add3A_196 : i32 to index
        %get3A_198 = arith.constant 0 : index
        %get3A_199 = tpu.vector_load %arg7[%get3A_197, %get3A_198] {strides = array<i32>} : memref<3200x16xf32, #tpu.memory_space<vmem>>, vector<1x16xf32>,
        %get3A_200 = vector.shape_cast %get3A_199 : vector<1x16xf32> to vector<16xf32>
        %add3A_201 = arith.addf %add3A_145, %get3A_200 : vector<16xf32>
        %add3A_202 = arith.constant 16 : i32
        %add3A_203 = arith.addi %add3A_90, %add3A_202 : i32
        %get3A_204 = arith.index_cast %add3A_203 : i32 to index
        %get3A_205 = arith.constant 0 : index
        %get3A_206 = tpu.vector_load %arg7[%get3A_204, %get3A_205] {strides = array<i32>} : memref<3200x16xf32, #tpu.memory_space<vmem>>, vector<1x16xf32>,
        %get3A_207 = vector.shape_cast %get3A_206 : vector<1x16xf32> to vector<16xf32>
        %add3A_208 = arith.addf %add3A_152, %get3A_207 : vector<16xf32>
        %add3A_209 = arith.constant 17 : i32
        %add3A_210 = arith.addi %add3A_90, %add3A_209 : i32
        %get3A_211 = arith.index_cast %add3A_210 : i32 to index
        %get3A_212 = arith.constant 0 : index
        %get3A_213 = tpu.vector_load %arg7[%get3A_211, %get3A_212] {strides = array<i32>} : memref<3200x16xf32, #tpu.memory_space<vmem>>, vector<1x16xf32>,
        %get3A_214 = vector.shape_cast %get3A_213 : vector<1x16xf32> to vector<16xf32>
        %add3A_215 = arith.addf %add3A_159, %get3A_214 : vector<16xf32>
        %add3A_216 = arith.constant 18 : i32
        %add3A_217 = arith.addi %add3A_90, %add3A_216 : i32
        %get3A_218 = arith.index_cast %add3A_217 : i32 to index
        %get3A_219 = arith.constant 0 : index
        %get3A_220 = tpu.vector_load %arg7[%get3A_218, %get3A_219] {strides = array<i32>} : memref<3200x16xf32, #tpu.memory_space<vmem>>, vector<1x16xf32>,
        %get3A_221 = vector.shape_cast %get3A_220 : vector<1x16xf32> to vector<16xf32>
        %add3A_222 = arith.addf %add3A_166, %get3A_221 : vector<16xf32>
        %add3A_223 = arith.constant 19 : i32
        %add3A_224 = arith.addi %add3A_90, %add3A_223 : i32
        %get3A_225 = arith.index_cast %add3A_224 : i32 to index
        %get3A_226 = arith.constant 0 : index
        %get3A_227 = tpu.vector_load %arg7[%get3A_225, %get3A_226] {strides = array<i32>} : memref<3200x16xf32, #tpu.memory_space<vmem>>, vector<1x16xf32>,
        %get3A_228 = vector.shape_cast %get3A_227 : vector<1x16xf32> to vector<16xf32>
        %add3A_229 = arith.addf %add3A_173, %get3A_228 : vector<16xf32>
        %add3A_230 = arith.constant 20 : i32
        %add3A_231 = arith.addi %add3A_90, %add3A_230 : i32
        %get3A_232 = arith.index_cast %add3A_231 : i32 to index
        %get3A_233 = arith.constant 0 : index
        %get3A_234 = tpu.vector_load %arg7[%get3A_232, %get3A_233] {strides = array<i32>} : memref<3200x16xf32, #tpu.memory_space<vmem>>, vector<1x16xf32>,
        %get3A_235 = vector.shape_cast %get3A_234 : vector<1x16xf32> to vector<16xf32>
        %add3A_236 = arith.addf %add3A_180, %get3A_235 : vector<16xf32>
        %add3A_237 = arith.constant 21 : i32
        %add3A_238 = arith.addi %add3A_90, %add3A_237 : i32
        %get3A_239 = arith.index_cast %add3A_238 : i32 to index
        %get3A_240 = arith.constant 0 : index
        %get3A_241 = tpu.vector_load %arg7[%get3A_239, %get3A_240] {strides = array<i32>} : memref<3200x16xf32, #tpu.memory_space<vmem>>, vector<1x16xf32>,
        %get3A_242 = vector.shape_cast %get3A_241 : vector<1x16xf32> to vector<16xf32>
        %add3A_243 = arith.addf %add3A_187, %get3A_242 : vector<16xf32>
        %add3A_244 = arith.constant 22 : i32
        %add3A_245 = arith.addi %add3A_90, %add3A_244 : i32
        %get3A_246 = arith.index_cast %add3A_245 : i32 to index
        %get3A_247 = arith.constant 0 : index
        %get3A_248 = tpu.vector_load %arg7[%get3A_246, %get3A_247] {strides = array<i32>} : memref<3200x16xf32, #tpu.memory_space<vmem>>, vector<1x16xf32>,
        %get3A_249 = vector.shape_cast %get3A_248 : vector<1x16xf32> to vector<16xf32>
        %add3A_250 = arith.addf %add3A_194, %get3A_249 : vector<16xf32>
        %add3A_251 = arith.constant 23 : i32
        %add3A_252 = arith.addi %add3A_90, %add3A_251 : i32
        %get3A_253 = arith.index_cast %add3A_252 : i32 to index
        %get3A_254 = arith.constant 0 : index
        %get3A_255 = tpu.vector_load %arg7[%get3A_253, %get3A_254] {strides = array<i32>} : memref<3200x16xf32, #tpu.memory_space<vmem>>, vector<1x16xf32>,
        %get3A_256 = vector.shape_cast %get3A_255 : vector<1x16xf32> to vector<16xf32>
        %add3A_257 = arith.addf %add3A_201, %get3A_256 : vector<16xf32>
        %add3A_258 = arith.constant 24 : i32
        %add3A_259 = arith.addi %add3A_90, %add3A_258 : i32
        %get3A_260 = arith.index_cast %add3A_259 : i32 to index
        %get3A_261 = arith.constant 0 : index
        %get3A_262 = tpu.vector_load %arg7[%get3A_260, %get3A_261] {strides = array<i32>} : memref<3200x16xf32, #tpu.memory_space<vmem>>, vector<1x16xf32>,
        %get3A_263 = vector.shape_cast %get3A_262 : vector<1x16xf32> to vector<16xf32>
        %add3A_264 = arith.addf %add3A_208, %get3A_263 : vector<16xf32>
        scf.yield %add3A_264, %add3A_215, %add3A_222, %add3A_229, %add3A_236, %add3A_243, %add3A_250, %add3A_257 : vector<16xf32>, vector<16xf32>, vector<16xf32>, vector<16xf32>, vector<16xf32>, vector<16xf32>, vector<16xf32>, vector<16xf32>
      }
      %scan3A_64 = arith.constant 8 : i32
      %add3A_65 = arith.addf %scan3A_63#0, %scan3A_63#1 : vector<16xf32>
      %add3A_66 = arith.addf %scan3A_63#2, %scan3A_63#3 : vector<16xf32>
      %add3A_67 = arith.addf %scan3A_63#4, %scan3A_63#5 : vector<16xf32>
      %add3A_68 = arith.addf %scan3A_63#6, %scan3A_63#7 : vector<16xf32>
      %add3A_69 = arith.addf %add3A_65, %add3A_66 : vector<16xf32>
      %add3A_70 = arith.addf %add3A_67, %add3A_68 : vector<16xf32>
      %add3A_71 = arith.addf %add3A_69, %add3A_70 : vector<16xf32>
      %add3A_72 = arith.constant 496 : i32
      %add3A_73 = arith.addi %add3A_72, %scan3A_54 : i32
      %swap3A = arith.index_cast %add3A_73 : i32 to index
      %swap3A_74 = arith.constant 0 : index
      %swap3A_75 = tpu.vector_load %arg8[%swap3A, %swap3A_74] {strides = array<i32>} : memref<512x16xf32, #tpu.memory_space<vmem>>, vector<1x16xf32>,
      %swap3A_76 = vector.shape_cast %swap3A_75 : vector<1x16xf32> to vector<16xf32>
      %swap3A_77 = vector.shape_cast %add3A_71 : vector<16xf32> to vector<1x16xf32>
      tpu.vector_store %arg8[%swap3A, %swap3A_74], %swap3A_77 {strides = array<i32>} : memref<512x16xf32, #tpu.memory_space<vmem>>, vector<1x16xf32>,
      %scan3A_78 = arith.constant 0 : i32
      scf.yield %scan3A_78 : i32
    }
    %scan3A_51 = arith.constant 16 : i32
    %mul3A_52 = arith.constant 512 : i32
    %mul3A_53 = arith.muli %add3A, %mul3A_52 : i32
    "tpu.region"() ({
      %run_scoped3A = tpu.sem_alloc : memref<!tpu.dma_semaphore, #tpu.memory_space<semaphore_mem>>
      %dma_start3A = arith.constant 0 : i32
      %dma_start3A_54 = tpu.memref_slice %arg4[%mul3A_53, %dma_start3A] : memref<16384x16xf32, #tpu.memory_space<hbm>> -> memref<512x16xf32, #tpu.memory_space<hbm>>
      %dma_start3A_55 = arith.constant 0 : i32
      %dma_start3A_56 = tpu.memref_slice %arg4[%mul3A_53, %dma_start3A_55] : memref<16384x16xf32, #tpu.memory_space<hbm>> -> memref<512x16xf32, #tpu.memory_space<hbm>>
      tpu.enqueue_dma source(%arg8 : memref<512x16xf32, #tpu.memory_space<vmem>>) target(%dma_start3A_56 : memref<512x16xf32, #tpu.memory_space<hbm>>) target_semaphore(%run_scoped3A : memref<!tpu.dma_semaphore, #tpu.memory_space<semaphore_mem>>)
      %dma_wait3A_57 = arith.constant 0 : i32
      %dma_wait3A_58 = tpu.memref_slice %arg4[%mul3A_53, %dma_wait3A_57] : memref<16384x16xf32, #tpu.memory_space<hbm>> -> memref<512x16xf32, #tpu.memory_space<hbm>>
      %dma_wait3A_59 = arith.constant 0 : i32
      %dma_wait3A_60 = tpu.memref_slice %arg4[%mul3A_53, %dma_wait3A_59] : memref<16384x16xf32, #tpu.memory_space<hbm>> -> memref<512x16xf32, #tpu.memory_space<hbm>>
      tpu.wait_dma2 semaphore(%run_scoped3A : memref<!tpu.dma_semaphore, #tpu.memory_space<semaphore_mem>>) src(%arg8 : memref<512x16xf32, #tpu.memory_space<vmem>>) dst(%dma_wait3A_60 : memref<512x16xf32, #tpu.memory_space<hbm>>)
      tpu.yield
    }) : () -> ()
    return
  }
}

module attributes {stable_mosaic.version = 14 : i64} {
  func.func @body(%arg0: i32, %arg1: memref<16x32768xf32, #tpu.memory_space<vmem>>, %arg2: memref<16x16xf32, #tpu.memory_space<vmem>>, %arg3: memref<4096x128xf32, #tpu.memory_space<vmem>>) attributes {dimension_semantics = [#tpu.dimension_semantics<arbitrary>], iteration_bounds = array<i64: 31>, scalar_prefetch = 0 : i64, scratch_operands = 0 : i64, tpu.core_type = #tpu.core_type<tc>, window_params = [{transform_indices = @transform_0, window_bounds = array<i64: 16, 32768>}, {pipeline_mode = #tpu.pipeline_mode<synchronous>, transform_indices = @transform_1, window_bounds = array<i64: 16, 16>}, {transform_indices = @transform_2, window_bounds = array<i64: 4096, 128>}]} {
    %get3A = arith.constant 0 : index
    %get3A_0 = arith.constant 0 : index
    %get3A_1 = vector.load %arg2[%get3A, %get3A_0] : memref<16x16xf32, #tpu.memory_space<vmem>>, vector<16x16xf32>
    %get3A_2 = arith.constant 0 : index
    %get3A_3 = arith.constant 0 : index
    %get3A_4 = vector.load %arg1[%get3A_2, %get3A_3] : memref<16x32768xf32, #tpu.memory_space<vmem>>, vector<16x32768xf32>
    %dot_general3A = arith.constant dense<0.000000e+00> : vector<16x32768xf32>
    %dot_general3A_5 = tpu.matmul %get3A_1, %get3A_4, %dot_general3A {dimension_numbers = #tpu.dot_dimension_numbers<[1], [0], [0], [1], [0, 0, 1, 1], [], []>, transpose_lhs_hint = false} : vector<16x16xf32>, vector<16x32768xf32>, vector<16x32768xf32> -> vector<16x32768xf32>
    %slice3A = vector.extract_strided_slice %dot_general3A_5 {offsets = [0, 0], sizes = [16, 4096], strides = [1, 1]} : vector<16x32768xf32> to vector<16x4096xf32>
    %slice3A_6 = vector.extract_strided_slice %dot_general3A_5 {offsets = [0, 4096], sizes = [16, 4096], strides = [1, 1]} : vector<16x32768xf32> to vector<16x4096xf32>
    %slice3A_7 = vector.extract_strided_slice %dot_general3A_5 {offsets = [0, 8192], sizes = [16, 4096], strides = [1, 1]} : vector<16x32768xf32> to vector<16x4096xf32>
    %slice3A_8 = vector.extract_strided_slice %dot_general3A_5 {offsets = [0, 12288], sizes = [16, 4096], strides = [1, 1]} : vector<16x32768xf32> to vector<16x4096xf32>
    %slice3A_9 = vector.extract_strided_slice %dot_general3A_5 {offsets = [0, 16384], sizes = [16, 4096], strides = [1, 1]} : vector<16x32768xf32> to vector<16x4096xf32>
    %slice3A_10 = vector.extract_strided_slice %dot_general3A_5 {offsets = [0, 20480], sizes = [16, 4096], strides = [1, 1]} : vector<16x32768xf32> to vector<16x4096xf32>
    %slice3A_11 = vector.extract_strided_slice %dot_general3A_5 {offsets = [0, 24576], sizes = [16, 4096], strides = [1, 1]} : vector<16x32768xf32> to vector<16x4096xf32>
    %slice3A_12 = vector.extract_strided_slice %dot_general3A_5 {offsets = [0, 28672], sizes = [16, 4096], strides = [1, 1]} : vector<16x32768xf32> to vector<16x4096xf32>
    %concatenate3A = tpu.concatenate %slice3A, %slice3A_6, %slice3A_7, %slice3A_8, %slice3A_9, %slice3A_10, %slice3A_11, %slice3A_12 in 0 : vector<16x4096xf32>, vector<16x4096xf32>, vector<16x4096xf32>, vector<16x4096xf32>, vector<16x4096xf32>, vector<16x4096xf32>, vector<16x4096xf32>, vector<16x4096xf32> -> vector<128x4096xf32>
    %transpose3A = tpu.transpose %concatenate3A, [1, 0] : vector<128x4096xf32> -> vector<4096x128xf32>
    %swap3A = arith.constant 0 : index
    %swap3A_13 = arith.constant 0 : index
    %swap3A_14 = vector.load %arg3[%swap3A, %swap3A_13] : memref<4096x128xf32, #tpu.memory_space<vmem>>, vector<4096x128xf32>
    tpu.vector_store %arg3[%swap3A, %swap3A_13], %transpose3A {strides = array<i32>} : memref<4096x128xf32, #tpu.memory_space<vmem>>, vector<4096x128xf32>,
    return
  }
  func.func @transform_0(%arg0: i32) -> (i32, i32) {
    %c0_i32 = arith.constant 0 : i32
    %c0_i32_0 = arith.constant 0 : i32
    return %c0_i32, %arg0 : i32, i32
  }
  func.func @transform_1(%arg0: i32) -> (i32, i32) {
    %c0_i32 = arith.constant 0 : i32
    %c0_i32_0 = arith.constant 0 : i32
    %c0_i32_1 = arith.constant 0 : i32
    return %c0_i32, %c0_i32_0 : i32, i32
  }
  func.func @transform_2(%arg0: i32) -> (i32, i32) {
    %c0_i32 = arith.constant 0 : i32
    %c0_i32_0 = arith.constant 0 : i32
    return %arg0, %c0_i32 : i32, i32
  }
}

</mosaic_0001>

<sc_bundles>
// kernel: kernel.4.cloned.1.call-start
scs
__scs_entry_jumppad:
0x0: {  	(pc) =	sbr.rel $0x88, $3  }
0x1: {  	(tag) =	ssettag $0x0;
	lr =	simm.s32 $0x1  }
0x2: {  	[smem:$0x3F9E] =	sst lr;
	_ =	strace $0xD0000000  }
0x3: {  	_ = 	snop  }
0x4: {  	_ = 	snop  }
0x5: {  	_ = 	snop  }
0x6: {  	_ = 	snop  }
0x7: {  	_ = 	snop  }
__scs_overlays_trampoline_lowered:
0x8: {  	[smem:$0x3FAD] =	sst s0  }
0x9: {  	[smem:$0x3FAE] =	sst s1  }
0xa: {  	[smem:$0x3FAF] =	sst s2  }
0xb: {  	[smem:$0x3FB0] =	sst s3  }
0xc: {  	[smem:$0x3FB1] =	sst s4  }
0xd: {  	[smem:$0x3FB2] =	sst s5  }
0xe: {  	[smem:$0x3FB3] =	sst s6  }
0xf: {  	[smem:$0x3FB4] =	sst s7  }
0x10: {  	[smem:$0x3FB5] =	sst s8  }
0x11: {  	[smem:$0x3FB6] =	sst s9;
	s0 =	simm.s32 @!p0 $0x0  }
0x12: {  	s1 =	sld [smem:$0x3F9C];
	s0 =	simm.s32 @p0 $0x1  }
0x13: {  	[smem:$0x3FB7] =	sst s0;
	s0 =	simm.s32 @!p1 $0x0  }
0x14: {  	s2 =	sld [smem:$0x3F9B];
	s0 =	simm.s32 @p1 $0x1  }
0x15: {  	[smem:$0x3FB8] =	sst s0;
	s0 =	simm.s32 @!p2 $0x0  }
0x16: {  	s3 =	sld [smem:$0x3FDB];
	s0 =	simm.s32 @p2 $0x1  }
0x17: {  	s4 =	simm.s32 $0x1BF5;
	[smem:$0x3FBA] =	sst s0  }
0x18: {  	s0 =	sld [smem:$0x3F9D];
	_ =	swait.ge [sflag:s4], $0x0  }
0x19: {  	s7 =	sld [smem:$0x3F9E]  }
0x1a: {  	s8 =	sadd.s32 $0xFFFFE003, lr  }
0x1b: {  	s9 =	sadd.s32 $0xFFFFFEF7, lr;
	s5 =	simm.s32 $0xFFFFFFFF;
	p2 =	slt.u32 s8, $0xFFFFF086  }
0x1c: {  	p1 =	slt.u32 s9, $0xF7A;
	s5 =	simm.s32 @!p2 $0x0  }
0x1d: {  	s5 =	simm.s32 @p1 $0x1;
	p0 =	seq.s32 s7, s2  }
0x1e: {  	s7 =	smul.u32 @!p0 $0xF7A, s2;
	p2 =	seq.s32 @!p0 s5, $0x0  }
0x1f: {  	s9 =	smul.u32 $0xF7A, s1;
	s8 =	simm.s32 @!p0 $0x1BF5;
	p2 =	por !p2, p0  }
0x20: {  	[sflag:s8] =	ssyncset.s32 @!p0 $0xFFFFF086;
	s6 =	sadd.s32 @!p0 s3, s7;
	s7 =	simm.s32 @!p0 $0x108  }
0x21: {  	s3 =	sadd.s32 s3, s9;
	s6 =	sadd.s32 @!p0 $0x88, s6;
	s7 =	simm.s32 @p2 $0x1082  }
0x22: {  	[simem:s7], [sflag:s8] =	dma.local @!p0 [hbm:s6], $0xF7A  }
0x23: {  	s9 =	sor.u32 $0xD0000000, s2;
	s6 =	simm.s32 $0x108;
	_ =	swait.ge @!p0 [sflag:s8], $0x0  }
0x24: {  	s3 =	sadd.s32 $0x88, s3;
	s6 =	simm.s32 @!p1 $0x1082;
	[sflag:s4] =	ssyncset.s32 $0xFFFFF086  }
0x25: {  	[simem:s6], [sflag:s4] =	dma.local [hbm:s3], $0xF7A  }
0x26: {  	[smem:$0x3F9E] =	sst s1;
	(tag) =	ssettag s2;
	_ =	strace s9  }
0x27: {  	s1 =	sld [smem:$0x3FAE]  }
0x28: {  	s2 =	sld [smem:$0x3FAF]  }
0x29: {  	s4 =	sld [smem:$0x3FB1]  }
0x2a: {  	p0 =	seq.s32 s5, $0x0;
	s5 =	sld [smem:$0x3FB2]  }
0x2b: {  	s6 =	sld [smem:$0x3FB3]  }
0x2c: {  	s7 =	sld [smem:$0x3FB4]  }
0x2d: {  	s3 =	simm.s32 $0x108;
	s8 =	sld [smem:$0x3FB5]  }
0x2e: {  	s3 =	simm.s32 @!p0 $0x1082;
	s9 =	sld [smem:$0x3FB6]  }
0x2f: {  	lr =	sadd.s32 s0, s3;
	s0 =	sld [smem:$0x3FAD]  }
0x30: {  	s3 =	sld [smem:$0x3FB0]  }
0x31: {  	[smem:$0x3FB9] =	sst s10  }
0x32: {  	s10 =	sld [smem:$0x3FB7];
	_ =	sdelay $0x3  }
0x33: {  	p0 =	seq.s32 s10, $0x1;
	s10 =	sld [smem:$0x3FB9];
	_ =	sdelay $0x3  }
0x34: {  	[smem:$0x3FB9] =	sst s10  }
0x35: {  	s10 =	sld [smem:$0x3FB8];
	_ =	sdelay $0x3  }
0x36: {  	p1 =	seq.s32 s10, $0x1;
	s10 =	sld [smem:$0x3FB9];
	_ =	sdelay $0x3  }
0x37: {  	[smem:$0x3FB9] =	sst s10  }
0x38: {  	s10 =	sld [smem:$0x3FBA]  }
0x39: {  	_ = 	snop;
	(pc) =	sbr.ind lr, $3  }
0x3a: {  	_ = 	snop  }
0x3b: {  	_ = 	snop  }
0x3c: {  	p2 =	seq.s32 s10, $0x1;
	s10 =	sld [smem:$0x3FB9]  }
0x3d: {  	_ =	shalt  }
0x3e: {  	_ =	shalt  }
0x3f: {  	_ =	shalt  }
0x40: {  	_ =	shalt  }
0x41: {  	_ =	shalt  }
0x42: {  	_ =	shalt  }
0x43: {  	_ =	shalt  }
0x44: {  	_ =	shalt  }
0x45: {  	_ =	shalt  }
0x46: {  	_ =	shalt  }
0x47: {  	_ =	shalt  }
0x48: {  	_ =	shalt  }
0x49: {  	_ =	shalt  }
0x4a: {  	_ =	shalt  }
0x4b: {  	_ =	shalt  }
0x4c: {  	_ =	shalt  }
0x4d: {  	_ =	shalt  }
0x4e: {  	_ =	shalt  }
0x4f: {  	_ =	shalt  }
0x50: {  	_ =	shalt  }
0x51: {  	_ =	shalt  }
0x52: {  	_ =	shalt  }
0x53: {  	_ =	shalt  }
0x54: {  	_ =	shalt  }
0x55: {  	_ =	shalt  }
0x56: {  	_ =	shalt  }
0x57: {  	_ =	shalt  }
0x58: {  	_ =	shalt  }
0x59: {  	_ =	shalt  }
0x5a: {  	_ =	shalt  }
0x5b: {  	_ =	shalt  }
0x5c: {  	_ =	shalt  }
0x5d: {  	_ =	shalt  }
0x5e: {  	_ =	shalt  }
0x5f: {  	_ =	shalt  }
0x60: {  	_ =	shalt  }
0x61: {  	_ =	shalt  }
0x62: {  	_ =	shalt  }
0x63: {  	_ =	shalt  }
0x64: {  	_ =	shalt  }
0x65: {  	_ =	shalt  }
0x66: {  	_ =	shalt  }
0x67: {  	_ =	shalt  }
0x68: {  	_ =	shalt  }
0x69: {  	_ =	shalt  }
0x6a: {  	_ =	shalt  }
0x6b: {  	_ =	shalt  }
0x6c: {  	_ =	shalt  }
0x6d: {  	_ =	shalt  }
0x6e: {  	_ =	shalt  }
0x6f: {  	_ =	shalt  }
0x70: {  	_ =	shalt  }
0x71: {  	_ =	shalt  }
0x72: {  	_ =	shalt  }
0x73: {  	_ =	shalt  }
0x74: {  	_ =	shalt  }
0x75: {  	_ =	shalt  }
0x76: {  	_ =	shalt  }
0x77: {  	_ =	shalt  }
0x78: {  	_ =	shalt  }
0x79: {  	_ =	shalt  }
0x7a: {  	_ =	shalt  }
0x7b: {  	_ =	shalt  }
0x7c: {  	_ =	shalt  }
0x7d: {  	_ =	shalt  }
0x7e: {  	_ =	shalt  }
0x7f: {  	_ =	shalt  }
0x80: {  	_ =	shalt  }
0x81: {  	_ =	shalt  }
0x82: {  	_ =	shalt  }
0x83: {  	_ =	shalt  }
0x84: {  	_ =	shalt  }
0x85: {  	_ =	shalt  }
0x86: {  	_ =	shalt  }
0x87: {  	_ =	shalt  }
.Lfunc_end0:
.L_simem_size_0:
called_computation_lowered:
.L_overlay_start_0:
0x88: {  	s2 =	sld [smem:$0x3FD9]  }
0x89: {  	s3 =	sld [smem:$0x3FFE];
	_ =	sdelay $0x1  }
0x8a: {  	s1 =	srdreg.scid  }
0x8b: {  	s0 =	sand.u32 $0x1, s1  }
0x8c: {  	s17 =	sshll.u32 s0, $0xA;
	s2 =	sadd.s32 s3, s2  }
0x8d: {  	s2 =	sadd.s32 s2, s17  }
0x8e: {  	[smem:$0x3FC5] =	sst s2  }
0x8f: {  	_ = 	snop  }
0x90: {  	s2 =	sld [smem:$0x3FD0];
	(tm) =	ssettm $0x1  }
0x91: {  	s18 =	sld [smem:$0x3FFB];
	_ =	sdelay $0x3  }
0x92: {  	_ =	strace s18  }
0x93: {  	s3 =	sld [smem:$0x3FFC];
	_ =	sdelay $0x3  }
0x94: {  	_ =	strace s3  }
0x95: {  	s3 =	sld [smem:$0x3FFD];
	_ =	sdelay $0x3  }
0x96: {  	_ =	strace s3  }
0x97: {  	_ =	strace $0x8FFFFFFF  }
0x98: {  	s19 =	sld [smem:$0x3FDB];
	_ =	sdelay $0x1  }
0x99: {  	s4 =	simm.s32 $_scs_section_size  }
0x9a: {  	s5 =	simm.s32 $_size__tile_overlayer_lowered;
	s6 =	simm.s32 $_tile_overlayer_lowered  }
0x9b: {  	s22 =	simm.s32 $0x1BFF;
	s21 =	sshll.u32 s6, $0x1;
	s3 =	sadd.s32 s4, s19  }
0x9c: {  	s7 =	simm.s32 $0x0;
	s20 =	sshll.u32 s5, $0x1;
	s5 =	sadd.s32 s21, s3  }
0x9d: {  	[timem:s7], [sflag:s22] =	dma.local [hbm:s5], s20  }
0x9e: {  	_ =	swait.ge [sflag:s22], s20  }
0x9f: {  	s4 =	ssub.s32 $0x0, s20;
	[sflag:s22] =	ssyncset.done $0x0  }
0xa0: {  	[sflag:s22] =	ssyncadd.s32 s4;
	_ =	sdelay $0x1  }
0xa1: {  	s23 =	simm.s32 $0x1B8B  }
0xa2: {  	_ =	swait.ge [sflag:s23], $0x1  }
0xa3: {  	[sflag:s23] =	ssyncset.done $0x0  }
0xa4: {  	s25 =	simm.s32 $0x1B8E;
	s24 =	sld [smem:$0x3FFE];
	[sflag:s23] =	ssyncadd.s32 $0xFFFFFFFF  }
0xa5: {  	s26 =	simm.s32 $execute0_lowered;
	[smem:$0x3FD2] =	sst s25  }
0xa6: {  	s5 =	sshll.u32 s26, $0x1;
	_ =	strace $0x80000046;
	[dreg:$0x1] =	wrdreg $0xFFFFFFFF  }
0xa7: {  	s28 =	simm.s32 $_size_execute0_lowered;
	s3 =	sadd.s32 s3, s5;
	[dreg:$0x0] =	wrdreg $0x0  }
0xa8: {  	s5 =	sshll.u32 s28, $0x1;
	[dreg:$0x2] =	wrdreg s3  }
0xa9: {  	[dreg:$0x3] =	wrdreg s5  }
0xaa: {  	[dreg:$0x4] =	wrdreg $0xC0  }
0xab: {  	_ =	task [dreg:s7], $0x5FFFF  }
0xac: {  	[dreg:$0x1] =	wrdreg $0xFFFFFFFF  }
0xad: {  	[dreg:$0x0] =	wrdreg $0x60  }
0xae: {  	[dreg:$0x2] =	wrdreg s24  }
0xaf: {  	[dreg:$0x3] =	wrdreg s2  }
0xb0: {  	[dreg:$0x4] =	wrdreg $0x9  }
0xb1: {  	_ =	task.clear_ibuf [dreg:s7], $0x5FFFF;
	_ =	strace $0x90000046  }
0xb2: {  	s29 =	simm.s32 $0x9;
	_ =	strace $0x80000048  }
0xb3: {  	_ =	swait.ge [sflag:s29], $0x1  }
0xb4: {  	[sflag:s29] =	ssyncadd.s32 $0xFFFFFFFF  }
0xb5: {  	_ =	strace $0x90000048  }
0xb6: {  	_ =	sfence  }
0xb7: {  	s30 =	sld [smem:$0x0];
	_ =	sdelay $0x2  }
0xb8: {  	s31 =	sshll.u32 s1, $0xD;
	s1 =	sshrl.u32 s1, $0x2  }
0xb9: {  	s3 =	sand.u32 $0x4000, s31;
	s1 =	sadd.s32 s1, s30  }
0xba: {  	s0 =	sor.u32 s3, s0;
	s1 =	sshll.u32 s1, $0x11  }
0xbb: {  	s0 =	sor.u32 s1, s0  }
0xbc: {  	s0 =	sadd.s32 $0x8F2B, s0  }
0xbd: {  	[sflag:s0] =	ssyncadd.remote.s32 $0x1  }
0xbe: {  	_ =	sfence.sel $0xFFFF  }
0xbf: {  	[dreg:$0x0] =	wrdreg $0xFFFFFFFF;
	(pc) =	sbr.abs _section_cstart, $3  }
0xc0: {  	[dreg:$0x1] =	wrdreg $0xFFFFFFFF  }
0xc1: {  	_ =	task.clear_ibuf [dreg:s7], $0x2FFFF;
	_ =	strace $0x9FFFFFFF  }
0xc2: {  	(tm) =	ssettm $0x7FFFFFFF  }
0xc3: {  	_ =	shalt  }
tec
execute0_lowered:
.L_overlay_start_1:
0x0: {  	(tag) =	ssettag $0x1  }
0x1: {  	s0 =	rddreg [dreg:$0x0]  }
0x2: {  	s1 =	rddreg [dreg:$0x1];
	s2 =	srdreg.scid  }
0x3: {  	s3 =	stileid.u32;
	s15 =	simm.s32 $0x0;
	s11 =	simm.s32 $0x3  }
0x4: {  	s12 =	simm.s32 $0x80;
	s21 =	simm.s32 $0x100;
	s28 =	simm.s32 $0x400  }
0x5: {  	s30 =	simm.s32 $0x480;
	s9 =	simm.s32 $0x600;
	s14 =	simm.s32 $0x700  }
0x6: {  	s18 =	simm.s32 $0x780;
	s31 =	simm.s32 $0x900;
	s13 =	simm.s32 $0xA00  }
0x7: {  	s20 =	simm.s32 $0xA80;
	s29 =	simm.s32 $0xB00;
	s10 =	simm.s32 $0xB80  }
0x8: {  	s16 =	simm.s32 $0x1;
	s2 =	sand.u32 $0x1, s2;
	s3 =	sshll.u32 s3, $0x1  }
0x9: {  	[smem:$0x7FF] =	sst s15;
	s4 =	sadd.s32 $0x64600, s0;
	s5 =	sor.u32 s2, s3  }
0xa: {  	_ =	strace $0x80000047;
	s22 =	ssub.s32 $0x2, s2;
	s6 =	smul.u32 $0x19000, s5  }
0xb: {  	s3 =	sadd.s32 $0x600, s0;
	s23 =	smul.u32 $0x3200, s5;
	s7 =	sshrl.u32 s22, $0x1  }
0xc: {  	s8 =	smul.u32 $0x320, s5;
	s26 =	sshll.u32 s5, $0xA;
	s0 =	ssub.s32 s22, s7  }
0xd: {  	s1 =	sadd.s32 s1, s26;
	s22 =	simm.s32 $0x800;
	s26 =	simm.s32 $0x880  }
0xe: {  	s7 =	simm.s32 $0x0;
	s6 =	sshrl.u32 s6, $0x3;
	[dreg:$0x3] =	wrdreg s8  }
0xf: {  	s2 =	sadd.s32 s3, s23;
	s25 =	sadd.s32 $0x32, s8;
	[dreg:$0x7] =	wrdreg s1  }
0x10: {  	s0 =	smax.u32 s0, $0x1;
	s23 =	simm.s32 $0x300;
	[dreg:$0x4] =	wrdreg s2  }
0x11: {  	s8 =	simm.s32 $0x980;
	s1 =	simm.s32 $0x2;
	[dreg:$0x5] =	wrdreg s25  }
0x12: {  	s24 =	sadd.s32 s3, s6;
	[dreg:$0x8] =	wrdreg s0;
	s25 =	simm.s32 $0x380  }
0x13: {  	s0 =	simm.s32 $0x500;
	s6 =	simm.s32 $0x580;
	s2 =	sadd.s32 $0x3070, s24  }
0x14: {  	s24 =	simm.s32 $0xC00;
	[dreg:$0x6] =	wrdreg s2;
	s2 =	simm.s32 $0x680  }
.LBB2_1:
0x15: {  	[dreg:$0x9] =	wrdreg s7  }
0x16: {  	s5 =	rddreg [dreg:$0x4]  }
0x17: {  	[tilespmem:s15], [sflag:$0x3] =	stream.linear.gather [hbm4b:s5+s15], $0xC80, $0x38;
	[tilespmem:$0x1BC80] =	vst v63  }
0x18: {  	_ =	swait.ge [sflag:s11], $0xC80  }
0x19: {  	[sflag:s11] =	ssyncset.done $0x0  }
0x1a: {  	s19 =	simm.s32 $0xC80;
	[sflag:s11] =	ssyncadd.s32 $0xFFFFF380  }
0x1b: {  	[tilespmem:s19], [sflag:$0x1] =	stream.indirect.gather [hbm4b:s4+s12], $0x10, s15, s12, $0xb8;
	[tilespmem:$0x1BC80] =	vst v63  }
0x1c: {  	s7 =	simm.s32 $0x1480  }
0x1d: {  	[tilespmem:s7], [sflag:$0x1] =	stream.indirect.gather [hbm4b:s4+s12], $0x10, s12, s12, $0xb8;
	[tilespmem:$0x1BC80] =	vst v63  }
0x1e: {  	s15 =	simm.s32 $0x1C80  }
0x1f: {  	[tilespmem:s15], [sflag:$0x1] =	stream.indirect.gather [hbm4b:s4+s12], $0x10, s21, s12, $0xb8;
	[tilespmem:$0x1BC80] =	vst v63  }
0x20: {  	s17 =	simm.s32 $0x180;
	s19 =	simm.s32 $0x2480  }
0x21: {  	[tilespmem:s19], [sflag:$0x1] =	stream.indirect.gather [hbm4b:s4+s12], $0x10, s17, s12, $0xb8;
	[tilespmem:$0x1BC80] =	vst v63  }
0x22: {  	s7 =	simm.s32 $0x200;
	s15 =	simm.s32 $0x2C80  }
0x23: {  	[tilespmem:s15], [sflag:$0x1] =	stream.indirect.gather [hbm4b:s4+s12], $0x10, s7, s12, $0xb8;
	[tilespmem:$0x1BC80] =	vst v63  }
0x24: {  	s17 =	simm.s32 $0x280;
	s19 =	simm.s32 $0x3480  }
0x25: {  	[tilespmem:s19], [sflag:$0x1] =	stream.indirect.gather [hbm4b:s4+s12], $0x10, s17, s12, $0xb8;
	[tilespmem:$0x1BC80] =	vst v63  }
0x26: {  	s15 =	simm.s32 $0x3C80  }
0x27: {  	[tilespmem:s15], [sflag:$0x1] =	stream.indirect.gather [hbm4b:s4+s12], $0x10, s23, s12, $0xb8;
	[tilespmem:$0x1BC80] =	vst v63  }
0x28: {  	s17 =	simm.s32 $0x4480  }
0x29: {  	[tilespmem:s17], [sflag:$0x1] =	stream.indirect.gather [hbm4b:s4+s12], $0x10, s25, s12, $0xb8;
	[tilespmem:$0x1BC80] =	vst v63  }
0x2a: {  	s19 =	simm.s32 $0x4C80  }
0x2b: {  	[tilespmem:s19], [sflag:$0x1] =	stream.indirect.gather [hbm4b:s4+s12], $0x10, s28, s12, $0xb8;
	[tilespmem:$0x1BC80] =	vst v63  }
0x2c: {  	s7 =	simm.s32 $0x5480  }
0x2d: {  	[tilespmem:s7], [sflag:$0x1] =	stream.indirect.gather [hbm4b:s4+s12], $0x10, s30, s12, $0xb8;
	[tilespmem:$0x1BC80] =	vst v63  }
0x2e: {  	s15 =	simm.s32 $0x5C80  }
0x2f: {  	[tilespmem:s15], [sflag:$0x1] =	stream.indirect.gather [hbm4b:s4+s12], $0x10, s0, s12, $0xb8;
	[tilespmem:$0x1BC80] =	vst v63  }
0x30: {  	s17 =	simm.s32 $0x6480  }
0x31: {  	[tilespmem:s17], [sflag:$0x1] =	stream.indirect.gather [hbm4b:s4+s12], $0x10, s6, s12, $0xb8;
	[tilespmem:$0x1BC80] =	vst v63  }
0x32: {  	s19 =	simm.s32 $0x6C80  }
0x33: {  	[tilespmem:s19], [sflag:$0x1] =	stream.indirect.gather [hbm4b:s4+s12], $0x10, s9, s12, $0xb8;
	[tilespmem:$0x1BC80] =	vst v63  }
0x34: {  	s7 =	simm.s32 $0x7480  }
0x35: {  	[tilespmem:s7], [sflag:$0x1] =	stream.indirect.gather [hbm4b:s4+s12], $0x10, s2, s12, $0xb8;
	[tilespmem:$0x1BC80] =	vst v63  }
0x36: {  	s15 =	simm.s32 $0x7C80  }
0x37: {  	[tilespmem:s15], [sflag:$0x1] =	stream.indirect.gather [hbm4b:s4+s12], $0x10, s14, s12, $0xb8;
	[tilespmem:$0x1BC80] =	vst v63  }
0x38: {  	s17 =	simm.s32 $0x8480  }
0x39: {  	[tilespmem:s17], [sflag:$0x1] =	stream.indirect.gather [hbm4b:s4+s12], $0x10, s18, s12, $0xb8;
	[tilespmem:$0x1BC80] =	vst v63  }
0x3a: {  	s19 =	simm.s32 $0x8C80  }
0x3b: {  	[tilespmem:s19], [sflag:$0x1] =	stream.indirect.gather [hbm4b:s4+s12], $0x10, s22, s12, $0xb8;
	[tilespmem:$0x1BC80] =	vst v63  }
0x3c: {  	s7 =	simm.s32 $0x9480  }
0x3d: {  	[tilespmem:s7], [sflag:$0x1] =	stream.indirect.gather [hbm4b:s4+s12], $0x10, s26, s12, $0xb8;
	[tilespmem:$0x1BC80] =	vst v63  }
0x3e: {  	s15 =	simm.s32 $0x9C80  }
0x3f: {  	[tilespmem:s15], [sflag:$0x1] =	stream.indirect.gather [hbm4b:s4+s12], $0x10, s31, s12, $0xb8;
	[tilespmem:$0x1BC80] =	vst v63  }
0x40: {  	s17 =	simm.s32 $0xA480  }
0x41: {  	[tilespmem:s17], [sflag:$0x1] =	stream.indirect.gather [hbm4b:s4+s12], $0x10, s8, s12, $0xb8;
	[tilespmem:$0x1BC80] =	vst v63  }
0x42: {  	s19 =	simm.s32 $0xAC80  }
0x43: {  	[tilespmem:s19], [sflag:$0x1] =	stream.indirect.gather [hbm4b:s4+s12], $0x10, s13, s12, $0xb8;
	[tilespmem:$0x1BC80] =	vst v63  }
0x44: {  	s7 =	simm.s32 $0xB480  }
0x45: {  	[tilespmem:s7], [sflag:$0x1] =	stream.indirect.gather [hbm4b:s4+s12], $0x10, s20, s12, $0xb8;
	[tilespmem:$0x1BC80] =	vst v63  }
0x46: {  	s15 =	simm.s32 $0xBC80  }
0x47: {  	[tilespmem:s15], [sflag:$0x1] =	stream.indirect.gather [hbm4b:s4+s12], $0x10, s29, s12, $0xb8;
	[tilespmem:$0x1BC80] =	vst v63  }
0x48: {  	s17 =	simm.s32 $0xC480  }
0x49: {  	[tilespmem:s17], [sflag:$0x1] =	stream.indirect.gather [hbm4b:s4+s12], $0x10, s10, s12, $0xb8;
	[tilespmem:$0x1BC80] =	vst v63  }
0x4a: {  	s5 =	simm.s32 $0x0;
	s19 =	simm.s32 $0xCC80  }
0x4b: {  	[tilespmem:s19], [sflag:$0x1] =	stream.indirect.gather [hbm4b:s4+s12], $0x10, s24, s12, $0xb8;
	[tilespmem:$0x1BC80] =	vst v63  }
.LBB2_2:
0x4c: {  	s7 =	sshllo.u32 s5, $0x1  }
0x4d: {  	s15 =	smul.u32 $0x19, s7  }
0x4e: {  	s17 =	rddreg [dreg:$0x3]  }
0x4f: {  	s15 =	sadd.s32 s17, s15  }
0x50: {  	_ =	swait.ge [sflag:s16], $0xC800;
	s15 =	sshll.u32 s15, $0x4  }
0x51: {  	[sflag:s16] =	ssyncset.done $0x0;
	s15 =	sand.u32 $0x1FFFFFF0, s15  }
0x52: {  	[sflag:s16] =	ssyncadd.s32 $0xFFFF3800;
	s19 =	sadd.s32 s3, s15;
	s15 =	simm.s32 $0x0  }
0x53: {  	[tilespmem:s15], [sflag:$0x3] =	stream.linear.gather [hbm4b:s19+s15], $0xC80, $0x38;
	[tilespmem:$0x1BC80] =	vst v63  }
0x54: {  	_ =	swait.ge [sflag:s11], $0xC80  }
0x55: {  	[sflag:s11] =	ssyncset.done $0x0  }
0x56: {  	s19 =	simm.s32 $0xD480;
	[sflag:s11] =	ssyncadd.s32 $0xFFFFF380  }
0x57: {  	[tilespmem:s19], [sflag:$0x2] =	stream.indirect.gather [hbm4b:s4+s12], $0x10, s15, s12, $0xb8;
	[tilespmem:$0x1BC80] =	vst v63  }
0x58: {  	s19 =	simm.s32 $0xDC80  }
0x59: {  	[tilespmem:s19], [sflag:$0x2] =	stream.indirect.gather [hbm4b:s4+s12], $0x10, s12, s12, $0xb8;
	[tilespmem:$0x1BC80] =	vst v63  }
0x5a: {  	s19 =	simm.s32 $0xE480  }
0x5b: {  	[tilespmem:s19], [sflag:$0x2] =	stream.indirect.gather [hbm4b:s4+s12], $0x10, s21, s12, $0xb8;
	[tilespmem:$0x1BC80] =	vst v63  }
0x5c: {  	s21 =	simm.s32 $0x180;
	s19 =	simm.s32 $0xEC80  }
0x5d: {  	[tilespmem:s19], [sflag:$0x2] =	stream.indirect.gather [hbm4b:s4+s12], $0x10, s21, s12, $0xb8;
	[tilespmem:$0x1BC80] =	vst v63  }
0x5e: {  	s19 =	simm.s32 $0x200;
	s21 =	simm.s32 $0xF480  }
0x5f: {  	[tilespmem:s21], [sflag:$0x2] =	stream.indirect.gather [hbm4b:s4+s12], $0x10, s19, s12, $0xb8;
	[tilespmem:$0x1BC80] =	vst v63  }
0x60: {  	s19 =	simm.s32 $0x280;
	s21 =	simm.s32 $0xFC80  }
0x61: {  	[tilespmem:s21], [sflag:$0x2] =	stream.indirect.gather [hbm4b:s4+s12], $0x10, s19, s12, $0xb8;
	[tilespmem:$0x1BC80] =	vst v63  }
0x62: {  	s19 =	simm.s32 $0x10480  }
0x63: {  	[tilespmem:s19], [sflag:$0x2] =	stream.indirect.gather [hbm4b:s4+s12], $0x10, s23, s12, $0xb8;
	[tilespmem:$0x1BC80] =	vst v63  }
0x64: {  	s21 =	simm.s32 $0x10C80  }
0x65: {  	[tilespmem:s21], [sflag:$0x2] =	stream.indirect.gather [hbm4b:s4+s12], $0x10, s25, s12, $0xb8;
	[tilespmem:$0x1BC80] =	vst v63  }
0x66: {  	s19 =	simm.s32 $0x11480  }
0x67: {  	[tilespmem:s19], [sflag:$0x2] =	stream.indirect.gather [hbm4b:s4+s12], $0x10, s28, s12, $0xb8;
	[tilespmem:$0x1BC80] =	vst v63  }
0x68: {  	s21 =	simm.s32 $0x11C80  }
0x69: {  	[tilespmem:s21], [sflag:$0x2] =	stream.indirect.gather [hbm4b:s4+s12], $0x10, s30, s12, $0xb8;
	[tilespmem:$0x1BC80] =	vst v63  }
0x6a: {  	s19 =	simm.s32 $0x12480  }
0x6b: {  	[tilespmem:s19], [sflag:$0x2] =	stream.indirect.gather [hbm4b:s4+s12], $0x10, s0, s12, $0xb8;
	[tilespmem:$0x1BC80] =	vst v63  }
0x6c: {  	s21 =	simm.s32 $0x12C80  }
0x6d: {  	[tilespmem:s21], [sflag:$0x2] =	stream.indirect.gather [hbm4b:s4+s12], $0x10, s6, s12, $0xb8;
	[tilespmem:$0x1BC80] =	vst v63  }
0x6e: {  	s19 =	simm.s32 $0x13480  }
0x6f: {  	[tilespmem:s19], [sflag:$0x2] =	stream.indirect.gather [hbm4b:s4+s12], $0x10, s9, s12, $0xb8;
	[tilespmem:$0x1BC80] =	vst v63  }
0x70: {  	s21 =	simm.s32 $0x13C80  }
0x71: {  	[tilespmem:s21], [sflag:$0x2] =	stream.indirect.gather [hbm4b:s4+s12], $0x10, s2, s12, $0xb8;
	[tilespmem:$0x1BC80] =	vst v63  }
0x72: {  	s19 =	simm.s32 $0x14480  }
0x73: {  	[tilespmem:s19], [sflag:$0x2] =	stream.indirect.gather [hbm4b:s4+s12], $0x10, s14, s12, $0xb8;
	[tilespmem:$0x1BC80] =	vst v63  }
0x74: {  	s21 =	simm.s32 $0x14C80  }
0x75: {  	[tilespmem:s21], [sflag:$0x2] =	stream.indirect.gather [hbm4b:s4+s12], $0x10, s18, s12, $0xb8;
	[tilespmem:$0x1BC80] =	vst v63  }
0x76: {  	s19 =	simm.s32 $0x15480  }
0x77: {  	[tilespmem:s19], [sflag:$0x2] =	stream.indirect.gather [hbm4b:s4+s12], $0x10, s22, s12, $0xb8;
	[tilespmem:$0x1BC80] =	vst v63  }
0x78: {  	s21 =	simm.s32 $0x15C80  }
0x79: {  	[tilespmem:s21], [sflag:$0x2] =	stream.indirect.gather [hbm4b:s4+s12], $0x10, s26, s12, $0xb8;
	[tilespmem:$0x1BC80] =	vst v63  }
0x7a: {  	s19 =	simm.s32 $0x16480  }
0x7b: {  	[tilespmem:s19], [sflag:$0x2] =	stream.indirect.gather [hbm4b:s4+s12], $0x10, s31, s12, $0xb8;
	[tilespmem:$0x1BC80] =	vst v63  }
0x7c: {  	s21 =	simm.s32 $0x16C80  }
0x7d: {  	[tilespmem:s21], [sflag:$0x2] =	stream.indirect.gather [hbm4b:s4+s12], $0x10, s8, s12, $0xb8;
	[tilespmem:$0x1BC80] =	vst v63  }
0x7e: {  	s19 =	simm.s32 $0x17480  }
0x7f: {  	[tilespmem:s19], [sflag:$0x2] =	stream.indirect.gather [hbm4b:s4+s12], $0x10, s13, s12, $0xb8;
	[tilespmem:$0x1BC80] =	vst v63  }
0x80: {  	s21 =	simm.s32 $0x17C80  }
0x81: {  	[tilespmem:s21], [sflag:$0x2] =	stream.indirect.gather [hbm4b:s4+s12], $0x10, s20, s12, $0xb8;
	[tilespmem:$0x1BC80] =	vst v63  }
0x82: {  	s19 =	simm.s32 $0x18480  }
0x83: {  	[tilespmem:s19], [sflag:$0x2] =	stream.indirect.gather [hbm4b:s4+s12], $0x10, s29, s12, $0xb8;
	[tilespmem:$0x1BC80] =	vst v63  }
0x84: {  	s21 =	simm.s32 $0x18C80  }
0x85: {  	[tilespmem:s21], [sflag:$0x2] =	stream.indirect.gather [hbm4b:s4+s12], $0x10, s10, s12, $0xb8;
	[tilespmem:$0x1BC80] =	vst v63  }
0x86: {  	s21 =	sshll.u32 s5, $0x9  }
0x87: {  	s19 =	simm.s32 $0x19480;
	s17 =	sand.u32 $0x3FFFFE00, s21  }
0x88: {  	[tilespmem:s19], [sflag:$0x2] =	stream.indirect.gather [hbm4b:s4+s12], $0x10, s24, s12, $0xb8;
	[tilespmem:$0x1BC80] =	vst v63  }
0x89: {  	s17 =	sadd.s32 $0x19C80, s17  }
0x8a: {  	v0 =	vmov s17;
	s17 =	simm.s32 $0xD40  }
.LBB2_3:
0x8b: {  	v3 =	vmov s17;
	_ =	sdelay $0x3  }
0x8c: {  	s19 =	simm.s32 $0x0  }
0x8d: {  	v4 =	vld.idx.msk [tilespmem:v3+s19+$0x50 ss:$0x1], $0xffff  }
0x8e: {  	v5 =	vld.idx.msk [tilespmem:v3+s19+$0x60 ss:$0x1], $0xffff  }
0x8f: {  	v6 =	vld.idx.msk [tilespmem:v3+s19+$0x70 ss:$0x1], $0xffff  }
0x90: {  	v7 =	vld.idx.msk [tilespmem:v3+s19+$0x80 ss:$0x1], $0xffff  }
0x91: {  	v1 =	vld.idx.msk [tilespmem:v3+s19+$0x90 ss:$0x1], $0xffff  }
0x92: {  	v2 =	vld.idx.msk [tilespmem:v3+s19+$0xA0 ss:$0x1], $0xffff  }
0x93: {  	v21 =	vld.idx.msk [tilespmem:v3+s19+$0xFFFFFFD0 ss:$0x1], $0xffff  }
0x94: {  	v19 =	vld.idx.msk [tilespmem:v3+s19+$0xFFFFFFE0 ss:$0x1], $0xffff  }
0x95: {  	v22 =	vld.idx.msk [tilespmem:v3+s19+$0xFFFFFFF0 ss:$0x1], $0xffff  }
0x96: {  	v20 =	vld.idx.msk [tilespmem:v3+s19+$0x0 ss:$0x1], $0xffff  }
0x97: {  	v8 =	vld.idx.msk [tilespmem:v3+s19+$0x10 ss:$0x1], $0xffff  }
0x98: {  	v24 =	vld.idx.msk [tilespmem:v3+s19+$0xFFFFFF50 ss:$0x1], $0xffff  }
0x99: {  	v25 =	vld.idx.msk [tilespmem:v3+s19+$0xFFFFFF60 ss:$0x1], $0xffff  }
0x9a: {  	v27 =	vld.idx.msk [tilespmem:v3+s19+$0xFFFFFF70 ss:$0x1], $0xffff  }
0x9b: {  	v26 =	vld.idx.msk [tilespmem:v3+s19+$0xFFFFFF80 ss:$0x1], $0xffff  }
0x9c: {  	v13 =	vimm.f32 $0.0e+00;
	v14 =	vimm.f32 $0.0e+00;
	v12 =	vld.idx.msk [tilespmem:v3+s19+$0x20 ss:$0x1], $0xffff  }
0x9d: {  	v15 =	vimm.f32 $0.0e+00;
	v16 =	vimm.f32 $0.0e+00;
	v17 =	vimm.f32 $0.0e+00;
	v18 =	vld.idx.msk [tilespmem:v3+s19+$0xFFFFFF90 ss:$0x1], $0xffff  }
0x9e: {  	s21 =	simm.s32 $0x640;
	v9 =	vimm.f32 $0.0e+00;
	v10 =	vimm.f32 $0.0e+00;
	v11 =	vimm.f32 $0.0e+00;
	v23 =	vld.idx.msk [tilespmem:v3+s19+$0xFFFFFFA0 ss:$0x1], $0xffff  }
.LBB2_4:
0x9f: {  	p0 =	sne.s32 s21, $0x2BC0;
	v28 =	vld.idx.msk [tilespmem:v3+s19+$0xFFFFFF40 ss:$0x1], $0xffff;
	v13 =	vadd.f32 v24, v13  }
0xa0: {  	v14 =	vadd.f32 v25, v14;
	v15 =	vadd.f32 v27, v15;
	v24 =	vld.idx.msk [tilespmem:v3+s19+$0xFFFFFFB0 ss:$0x1], $0xffff  }
0xa1: {  	v16 =	vadd.f32 v26, v16;
	v25 =	vld.idx.msk [tilespmem:v3+s19+$0xFFFFFFC0 ss:$0x1], $0xffff;
	v13 =	vadd.f32 v21, v13  }
0xa2: {  	v14 =	vadd.f32 v19, v14;
	v15 =	vadd.f32 v22, v15;
	v19 =	vld.idx.msk [tilespmem:v3+s19+$0x30 ss:$0x1], $0xffff  }
0xa3: {  	v16 =	vadd.f32 v20, v16;
	v20 =	vld.idx.msk [tilespmem:v3+s19+$0x40 ss:$0x1], $0xffff;
	v13 =	vadd.f32 v4, v13  }
0xa4: {  	v14 =	vadd.f32 v5, v14;
	v15 =	vadd.f32 v6, v15;
	v21 =	vld.idx.msk [tilespmem:v3+s19+$0xB0 ss:$0x1], $0xffff  }
0xa5: {  	v6 =	vadd.f32 v28, v17;
	v16 =	vadd.f32 v7, v16;
	v17 =	vld.idx.msk [tilespmem:v3+s19+$0xC0 ss:$0x1], $0xffff;
	s19 =	sshra.s32 s21, $0x2  }
0xa6: {  	v7 =	vadd.f32 v18, v9;
	v9 =	vadd.f32 v23, v10;
	v4 =	vld.idx.msk [tilespmem:v3+s19+$0x50 ss:$0x1], $0xffff  }
0xa7: {  	v10 =	vadd.f32 v24, v11;
	v11 =	vadd.f32 v25, v6;
	v5 =	vld.idx.msk [tilespmem:v3+s19+$0x60 ss:$0x1], $0xffff  }
0xa8: {  	v8 =	vadd.f32 v8, v7;
	v12 =	vadd.f32 v12, v9;
	v6 =	vld.idx.msk [tilespmem:v3+s19+$0x70 ss:$0x1], $0xffff  }
0xa9: {  	v18 =	vadd.f32 v19, v10;
	v19 =	vadd.f32 v20, v11;
	v7 =	vld.idx.msk [tilespmem:v3+s19+$0x80 ss:$0x1], $0xffff  }
0xaa: {  	v9 =	vadd.f32 v1, v8;
	v10 =	vadd.f32 v2, v12;
	v1 =	vld.idx.msk [tilespmem:v3+s19+$0x90 ss:$0x1], $0xffff  }
0xab: {  	v11 =	vadd.f32 v21, v18;
	v17 =	vadd.f32 v17, v19;
	v2 =	vld.idx.msk [tilespmem:v3+s19+$0xA0 ss:$0x1], $0xffff  }
0xac: {  	v21 =	vld.idx.msk [tilespmem:v3+s19+$0xFFFFFFD0 ss:$0x1], $0xffff  }
0xad: {  	v19 =	vld.idx.msk [tilespmem:v3+s19+$0xFFFFFFE0 ss:$0x1], $0xffff  }
0xae: {  	v22 =	vld.idx.msk [tilespmem:v3+s19+$0xFFFFFFF0 ss:$0x1], $0xffff  }
0xaf: {  	v20 =	vld.idx.msk [tilespmem:v3+s19+$0x0 ss:$0x1], $0xffff  }
0xb0: {  	v8 =	vld.idx.msk [tilespmem:v3+s19+$0x10 ss:$0x1], $0xffff  }
0xb1: {  	v24 =	vld.idx.msk [tilespmem:v3+s19+$0xFFFFFF50 ss:$0x1], $0xffff  }
0xb2: {  	v25 =	vld.idx.msk [tilespmem:v3+s19+$0xFFFFFF60 ss:$0x1], $0xffff  }
.Ltmp0:
0xb3: {  	v27 =	vld.idx.msk [tilespmem:v3+s19+$0xFFFFFF70 ss:$0x1], $0xffff;
	(pc) =	sbr.rel @p0 .LBB2_4-.Ltmp0, $4  }
0xb4: {  	v26 =	vld.idx.msk [tilespmem:v3+s19+$0xFFFFFF80 ss:$0x1], $0xffff  }
0xb5: {  	v12 =	vld.idx.msk [tilespmem:v3+s19+$0x20 ss:$0x1], $0xffff  }
0xb6: {  	v18 =	vld.idx.msk [tilespmem:v3+s19+$0xFFFFFF90 ss:$0x1], $0xffff  }
0xb7: {  	s21 =	sadd.s32 $0x640, s21;
	v23 =	vld.idx.msk [tilespmem:v3+s19+$0xFFFFFFA0 ss:$0x1], $0xffff  }
0xb8: {  	_ =	sdelay $0x2  }
0xb9: {  	v13 =	vadd.f32 v24, v13  }
0xba: {  	v28 =	vld.idx.msk [tilespmem:v3+s19+$0xFFFFFF40 ss:$0x1], $0xffff;
	v14 =	vadd.f32 v25, v14;
	v15 =	vadd.f32 v27, v15  }
0xbb: {  	v56 =	vld.idx.msk [tilespmem:v3+s19+$0xFFFFFFC0 ss:$0x1], $0xffff;
	v16 =	vadd.f32 v26, v16;
	v13 =	vadd.f32 v21, v13  }
0xbc: {  	v57 =	vld.idx.msk [tilespmem:v3+s19+$0xFFFFFFB0 ss:$0x1], $0xffff;
	v14 =	vadd.f32 v19, v14;
	v15 =	vadd.f32 v22, v15  }
0xbd: {  	v58 =	vld.idx.msk [tilespmem:v3+s19+$0x40 ss:$0x1], $0xffff;
	v16 =	vadd.f32 v20, v16;
	v9 =	vadd.f32 v18, v9  }
0xbe: {  	v59 =	vld.idx.msk [tilespmem:v3+s19+$0x30 ss:$0x1], $0xffff;
	v4 =	vadd.f32 v4, v13;
	v5 =	vadd.f32 v5, v14  }
0xbf: {  	v61 =	vld.idx.msk [tilespmem:v3+s19+$0xC0 ss:$0x1], $0xffff;
	v6 =	vadd.f32 v6, v15;
	v60 =	vadd.f32 v28, v17  }
0xc0: {  	v3 =	vld.idx.msk [tilespmem:v3+s19+$0xB0 ss:$0x1], $0xffff;
	v10 =	vadd.f32 v23, v10;
	v7 =	vadd.f32 v7, v16  }
0xc1: {  	v11 =	vadd.f32 v57, v11;
	v14 =	vadd.f32 v56, v60  }
0xc2: {  	v8 =	vadd.f32 v8, v9;
	v10 =	vadd.f32 v12, v10  }
0xc3: {  	v11 =	vadd.f32 v59, v11;
	v62 =	vadd.f32 v58, v14  }
0xc4: {  	v1 =	vadd.f32 v1, v8;
	v2 =	vadd.f32 v2, v10  }
0xc5: {  	v3 =	vadd.f32 v3, v11;
	v63 =	vadd.f32 v61, v62  }
0xc6: {  	v5 =	vadd.f32 v6, v5;
	v1 =	vadd.f32 v1, v7  }
0xc7: {  	s21 =	sshll.u32 s15, $0x4;
	s15 =	sadd.s32 $0x1, s15;
	v2 =	vadd.f32 v3, v2;
	v4 =	vadd.f32 v4, v63  }
0xc8: {  	p0 =	sne.s32 s15, $0x10  }
.Ltmp1:
0xc9: {  	v1 =	vadd.f32 v2, v1;
	v3 =	vadd.f32 v5, v4;
	(pc) =	sbr.rel @p0 .LBB2_3-.Ltmp1, $4  }
0xca: {  	_ = 	snop  }
0xcb: {  	v1 =	vadd.f32 v1, v3  }
0xcc: {  	s19 =	sand.u32 $0x3FFFFFF0, s21  }
0xcd: {  	s17 =	sadd.s32 $0xC80, s17;
	[tilespmem:v0+s19+$0x0 ss:$0x1] =	vst.idx.msk $0xffff, v1  }
0xce: {  	s15 =	smul.u32 $0x32, s5  }
0xcf: {  	s17 =	rddreg [dreg:$0x5]  }
0xd0: {  	s15 =	sadd.s32 s15, s17  }
0xd1: {  	_ =	swait.ge [sflag:s1], $0xC800;
	s15 =	sshll.u32 s15, $0x4  }
0xd2: {  	[sflag:s1] =	ssyncset.done $0x0;
	s15 =	sand.u32 $0x1FFFFFE0, s15  }
0xd3: {  	[sflag:s1] =	ssyncadd.s32 $0xFFFF3800;
	s21 =	sadd.s32 s3, s15;
	s15 =	simm.s32 $0x0  }
0xd4: {  	[tilespmem:s15], [sflag:$0x3] =	stream.linear.gather [hbm4b:s21+s15], $0xC80, $0x38;
	[tilespmem:$0x1BC80] =	vst v63  }
0xd5: {  	_ =	swait.ge [sflag:s11], $0xC80  }
0xd6: {  	[sflag:s11] =	ssyncset.done $0x0  }
0xd7: {  	s19 =	simm.s32 $0xC80;
	[sflag:s11] =	ssyncadd.s32 $0xFFFFF380  }
0xd8: {  	[tilespmem:s19], [sflag:$0x1] =	stream.indirect.gather [hbm4b:s4+s12], $0x10, s15, s12, $0xb8;
	[tilespmem:$0x1BC80] =	vst v63  }
0xd9: {  	s21 =	simm.s32 $0x1480  }
0xda: {  	[tilespmem:s21], [sflag:$0x1] =	stream.indirect.gather [hbm4b:s4+s12], $0x10, s12, s12, $0xb8;
	[tilespmem:$0x1BC80] =	vst v63  }
0xdb: {  	s19 =	simm.s32 $0x1C80;
	s21 =	simm.s32 $0x100  }
0xdc: {  	[tilespmem:s19], [sflag:$0x1] =	stream.indirect.gather [hbm4b:s4+s12], $0x10, s21, s12, $0xb8;
	[tilespmem:$0x1BC80] =	vst v63  }
0xdd: {  	s17 =	simm.s32 $0x180;
	s19 =	simm.s32 $0x2480  }
0xde: {  	[tilespmem:s19], [sflag:$0x1] =	stream.indirect.gather [hbm4b:s4+s12], $0x10, s17, s12, $0xb8;
	[tilespmem:$0x1BC80] =	vst v63  }
0xdf: {  	s17 =	simm.s32 $0x200;
	s19 =	simm.s32 $0x2C80  }
0xe0: {  	[tilespmem:s19], [sflag:$0x1] =	stream.indirect.gather [hbm4b:s4+s12], $0x10, s17, s12, $0xb8;
	[tilespmem:$0x1BC80] =	vst v63  }
0xe1: {  	s17 =	simm.s32 $0x280;
	s19 =	simm.s32 $0x3480  }
0xe2: {  	[tilespmem:s19], [sflag:$0x1] =	stream.indirect.gather [hbm4b:s4+s12], $0x10, s17, s12, $0xb8;
	[tilespmem:$0x1BC80] =	vst v63  }
0xe3: {  	s19 =	simm.s32 $0x3C80  }
0xe4: {  	[tilespmem:s19], [sflag:$0x1] =	stream.indirect.gather [hbm4b:s4+s12], $0x10, s23, s12, $0xb8;
	[tilespmem:$0x1BC80] =	vst v63  }
0xe5: {  	s19 =	simm.s32 $0x4480  }
0xe6: {  	[tilespmem:s19], [sflag:$0x1] =	stream.indirect.gather [hbm4b:s4+s12], $0x10, s25, s12, $0xb8;
	[tilespmem:$0x1BC80] =	vst v63  }
0xe7: {  	s19 =	simm.s32 $0x4C80  }
0xe8: {  	[tilespmem:s19], [sflag:$0x1] =	stream.indirect.gather [hbm4b:s4+s12], $0x10, s28, s12, $0xb8;
	[tilespmem:$0x1BC80] =	vst v63  }
0xe9: {  	s19 =	simm.s32 $0x5480  }
0xea: {  	[tilespmem:s19], [sflag:$0x1] =	stream.indirect.gather [hbm4b:s4+s12], $0x10, s30, s12, $0xb8;
	[tilespmem:$0x1BC80] =	vst v63  }
0xeb: {  	s19 =	simm.s32 $0x5C80  }
0xec: {  	[tilespmem:s19], [sflag:$0x1] =	stream.indirect.gather [hbm4b:s4+s12], $0x10, s0, s12, $0xb8;
	[tilespmem:$0x1BC80] =	vst v63  }
0xed: {  	s19 =	simm.s32 $0x6480  }
0xee: {  	[tilespmem:s19], [sflag:$0x1] =	stream.indirect.gather [hbm4b:s4+s12], $0x10, s6, s12, $0xb8;
	[tilespmem:$0x1BC80] =	vst v63  }
0xef: {  	s19 =	simm.s32 $0x6C80  }
0xf0: {  	[tilespmem:s19], [sflag:$0x1] =	stream.indirect.gather [hbm4b:s4+s12], $0x10, s9, s12, $0xb8;
	[tilespmem:$0x1BC80] =	vst v63  }
0xf1: {  	s19 =	simm.s32 $0x7480  }
0xf2: {  	[tilespmem:s19], [sflag:$0x1] =	stream.indirect.gather [hbm4b:s4+s12], $0x10, s2, s12, $0xb8;
	[tilespmem:$0x1BC80] =	vst v63  }
0xf3: {  	s19 =	simm.s32 $0x7C80  }
0xf4: {  	[tilespmem:s19], [sflag:$0x1] =	stream.indirect.gather [hbm4b:s4+s12], $0x10, s14, s12, $0xb8;
	[tilespmem:$0x1BC80] =	vst v63  }
0xf5: {  	s19 =	simm.s32 $0x8480  }
0xf6: {  	[tilespmem:s19], [sflag:$0x1] =	stream.indirect.gather [hbm4b:s4+s12], $0x10, s18, s12, $0xb8;
	[tilespmem:$0x1BC80] =	vst v63  }
0xf7: {  	s19 =	simm.s32 $0x8C80  }
0xf8: {  	[tilespmem:s19], [sflag:$0x1] =	stream.indirect.gather [hbm4b:s4+s12], $0x10, s22, s12, $0xb8;
	[tilespmem:$0x1BC80] =	vst v63  }
0xf9: {  	s19 =	simm.s32 $0x9480  }
0xfa: {  	[tilespmem:s19], [sflag:$0x1] =	stream.indirect.gather [hbm4b:s4+s12], $0x10, s26, s12, $0xb8;
	[tilespmem:$0x1BC80] =	vst v63  }
0xfb: {  	s19 =	simm.s32 $0x9C80  }
0xfc: {  	[tilespmem:s19], [sflag:$0x1] =	stream.indirect.gather [hbm4b:s4+s12], $0x10, s31, s12, $0xb8;
	[tilespmem:$0x1BC80] =	vst v63  }
0xfd: {  	s19 =	simm.s32 $0xA480  }
0xfe: {  	[tilespmem:s19], [sflag:$0x1] =	stream.indirect.gather [hbm4b:s4+s12], $0x10, s8, s12, $0xb8;
	[tilespmem:$0x1BC80] =	vst v63  }
0xff: {  	s19 =	simm.s32 $0xAC80  }
0x100: {  	[tilespmem:s19], [sflag:$0x1] =	stream.indirect.gather [hbm4b:s4+s12], $0x10, s13, s12, $0xb8;
	[tilespmem:$0x1BC80] =	vst v63  }
0x101: {  	s7 =	sshll.u32 s7, $0x8;
	s19 =	simm.s32 $0xB480  }
0x102: {  	[tilespmem:s19], [sflag:$0x1] =	stream.indirect.gather [hbm4b:s4+s12], $0x10, s20, s12, $0xb8;
	[tilespmem:$0x1BC80] =	vst v63  }
0x103: {  	s7 =	sand.u32 $0x3FFFFF00, s7;
	s19 =	simm.s32 $0xBC80  }
0x104: {  	[tilespmem:s19], [sflag:$0x1] =	stream.indirect.gather [hbm4b:s4+s12], $0x10, s29, s12, $0xb8;
	[tilespmem:$0x1BC80] =	vst v63  }
0x105: {  	s7 =	sadd.s32 $0x19C80, s7;
	s19 =	simm.s32 $0xC480  }
0x106: {  	[tilespmem:s19], [sflag:$0x1] =	stream.indirect.gather [hbm4b:s4+s12], $0x10, s10, s12, $0xb8;
	[tilespmem:$0x1BC80] =	vst v63  }
0x107: {  	v0 =	vmov s7;
	s7 =	simm.s32 $0xD540;
	s19 =	simm.s32 $0xCC80  }
0x108: {  	[tilespmem:s19], [sflag:$0x1] =	stream.indirect.gather [hbm4b:s4+s12], $0x10, s24, s12, $0xb8;
	[tilespmem:$0x1BC80] =	vst v63  }
.LBB2_7:
0x109: {  	v3 =	vmov s7;
	_ =	sdelay $0x3  }
0x10a: {  	s17 =	simm.s32 $0x0  }
0x10b: {  	v4 =	vld.idx.msk [tilespmem:v3+s17+$0x50 ss:$0x1], $0xffff  }
0x10c: {  	v5 =	vld.idx.msk [tilespmem:v3+s17+$0x60 ss:$0x1], $0xffff  }
0x10d: {  	v6 =	vld.idx.msk [tilespmem:v3+s17+$0x70 ss:$0x1], $0xffff  }
0x10e: {  	v7 =	vld.idx.msk [tilespmem:v3+s17+$0x80 ss:$0x1], $0xffff  }
0x10f: {  	v1 =	vld.idx.msk [tilespmem:v3+s17+$0x90 ss:$0x1], $0xffff  }
0x110: {  	v2 =	vld.idx.msk [tilespmem:v3+s17+$0xA0 ss:$0x1], $0xffff  }
0x111: {  	v21 =	vld.idx.msk [tilespmem:v3+s17+$0xFFFFFFD0 ss:$0x1], $0xffff  }
0x112: {  	v19 =	vld.idx.msk [tilespmem:v3+s17+$0xFFFFFFE0 ss:$0x1], $0xffff  }
0x113: {  	v22 =	vld.idx.msk [tilespmem:v3+s17+$0xFFFFFFF0 ss:$0x1], $0xffff  }
0x114: {  	v20 =	vld.idx.msk [tilespmem:v3+s17+$0x0 ss:$0x1], $0xffff  }
0x115: {  	v8 =	vld.idx.msk [tilespmem:v3+s17+$0x10 ss:$0x1], $0xffff  }
0x116: {  	v24 =	vld.idx.msk [tilespmem:v3+s17+$0xFFFFFF50 ss:$0x1], $0xffff  }
0x117: {  	v25 =	vld.idx.msk [tilespmem:v3+s17+$0xFFFFFF60 ss:$0x1], $0xffff  }
0x118: {  	v27 =	vld.idx.msk [tilespmem:v3+s17+$0xFFFFFF70 ss:$0x1], $0xffff  }
0x119: {  	v26 =	vld.idx.msk [tilespmem:v3+s17+$0xFFFFFF80 ss:$0x1], $0xffff  }
0x11a: {  	v13 =	vimm.f32 $0.0e+00;
	v14 =	vimm.f32 $0.0e+00;
	v12 =	vld.idx.msk [tilespmem:v3+s17+$0x20 ss:$0x1], $0xffff  }
0x11b: {  	v15 =	vimm.f32 $0.0e+00;
	v16 =	vimm.f32 $0.0e+00;
	v17 =	vimm.f32 $0.0e+00;
	v18 =	vld.idx.msk [tilespmem:v3+s17+$0xFFFFFF90 ss:$0x1], $0xffff  }
0x11c: {  	s19 =	simm.s32 $0x640;
	v9 =	vimm.f32 $0.0e+00;
	v10 =	vimm.f32 $0.0e+00;
	v11 =	vimm.f32 $0.0e+00;
	v23 =	vld.idx.msk [tilespmem:v3+s17+$0xFFFFFFA0 ss:$0x1], $0xffff  }
.LBB2_8:
0x11d: {  	p0 =	sne.s32 s19, $0x2BC0;
	v28 =	vld.idx.msk [tilespmem:v3+s17+$0xFFFFFF40 ss:$0x1], $0xffff;
	v13 =	vadd.f32 v24, v13  }
0x11e: {  	v14 =	vadd.f32 v25, v14;
	v15 =	vadd.f32 v27, v15;
	v24 =	vld.idx.msk [tilespmem:v3+s17+$0xFFFFFFB0 ss:$0x1], $0xffff  }
0x11f: {  	v16 =	vadd.f32 v26, v16;
	v25 =	vld.idx.msk [tilespmem:v3+s17+$0xFFFFFFC0 ss:$0x1], $0xffff;
	v13 =	vadd.f32 v21, v13  }
0x120: {  	v14 =	vadd.f32 v19, v14;
	v15 =	vadd.f32 v22, v15;
	v19 =	vld.idx.msk [tilespmem:v3+s17+$0x30 ss:$0x1], $0xffff  }
0x121: {  	v16 =	vadd.f32 v20, v16;
	v20 =	vld.idx.msk [tilespmem:v3+s17+$0x40 ss:$0x1], $0xffff;
	v13 =	vadd.f32 v4, v13  }
0x122: {  	v14 =	vadd.f32 v5, v14;
	v15 =	vadd.f32 v6, v15;
	v21 =	vld.idx.msk [tilespmem:v3+s17+$0xB0 ss:$0x1], $0xffff  }
0x123: {  	v6 =	vadd.f32 v28, v17;
	v16 =	vadd.f32 v7, v16;
	v17 =	vld.idx.msk [tilespmem:v3+s17+$0xC0 ss:$0x1], $0xffff;
	s17 =	sshra.s32 s19, $0x2  }
0x124: {  	v7 =	vadd.f32 v18, v9;
	v9 =	vadd.f32 v23, v10;
	v4 =	vld.idx.msk [tilespmem:v3+s17+$0x50 ss:$0x1], $0xffff  }
0x125: {  	v10 =	vadd.f32 v24, v11;
	v11 =	vadd.f32 v25, v6;
	v5 =	vld.idx.msk [tilespmem:v3+s17+$0x60 ss:$0x1], $0xffff  }
0x126: {  	v8 =	vadd.f32 v8, v7;
	v12 =	vadd.f32 v12, v9;
	v6 =	vld.idx.msk [tilespmem:v3+s17+$0x70 ss:$0x1], $0xffff  }
0x127: {  	v18 =	vadd.f32 v19, v10;
	v19 =	vadd.f32 v20, v11;
	v7 =	vld.idx.msk [tilespmem:v3+s17+$0x80 ss:$0x1], $0xffff  }
0x128: {  	v9 =	vadd.f32 v1, v8;
	v10 =	vadd.f32 v2, v12;
	v1 =	vld.idx.msk [tilespmem:v3+s17+$0x90 ss:$0x1], $0xffff  }
0x129: {  	v11 =	vadd.f32 v21, v18;
	v17 =	vadd.f32 v17, v19;
	v2 =	vld.idx.msk [tilespmem:v3+s17+$0xA0 ss:$0x1], $0xffff  }
0x12a: {  	v21 =	vld.idx.msk [tilespmem:v3+s17+$0xFFFFFFD0 ss:$0x1], $0xffff  }
0x12b: {  	v19 =	vld.idx.msk [tilespmem:v3+s17+$0xFFFFFFE0 ss:$0x1], $0xffff  }
0x12c: {  	v22 =	vld.idx.msk [tilespmem:v3+s17+$0xFFFFFFF0 ss:$0x1], $0xffff  }
0x12d: {  	v20 =	vld.idx.msk [tilespmem:v3+s17+$0x0 ss:$0x1], $0xffff  }
0x12e: {  	v8 =	vld.idx.msk [tilespmem:v3+s17+$0x10 ss:$0x1], $0xffff  }
0x12f: {  	v24 =	vld.idx.msk [tilespmem:v3+s17+$0xFFFFFF50 ss:$0x1], $0xffff  }
0x130: {  	v25 =	vld.idx.msk [tilespmem:v3+s17+$0xFFFFFF60 ss:$0x1], $0xffff  }
.Ltmp2:
0x131: {  	v27 =	vld.idx.msk [tilespmem:v3+s17+$0xFFFFFF70 ss:$0x1], $0xffff;
	(pc) =	sbr.rel @p0 .LBB2_8-.Ltmp2, $4  }
0x132: {  	v26 =	vld.idx.msk [tilespmem:v3+s17+$0xFFFFFF80 ss:$0x1], $0xffff  }
0x133: {  	v12 =	vld.idx.msk [tilespmem:v3+s17+$0x20 ss:$0x1], $0xffff  }
0x134: {  	v18 =	vld.idx.msk [tilespmem:v3+s17+$0xFFFFFF90 ss:$0x1], $0xffff  }
0x135: {  	s19 =	sadd.s32 $0x640, s19;
	v23 =	vld.idx.msk [tilespmem:v3+s17+$0xFFFFFFA0 ss:$0x1], $0xffff  }
0x136: {  	_ =	sdelay $0x2  }
0x137: {  	v13 =	vadd.f32 v24, v13  }
0x138: {  	v28 =	vld.idx.msk [tilespmem:v3+s17+$0xFFFFFF40 ss:$0x1], $0xffff;
	v14 =	vadd.f32 v25, v14;
	v15 =	vadd.f32 v27, v15  }
0x139: {  	v56 =	vld.idx.msk [tilespmem:v3+s17+$0xFFFFFFC0 ss:$0x1], $0xffff;
	v16 =	vadd.f32 v26, v16;
	v13 =	vadd.f32 v21, v13  }
0x13a: {  	v57 =	vld.idx.msk [tilespmem:v3+s17+$0xFFFFFFB0 ss:$0x1], $0xffff;
	v14 =	vadd.f32 v19, v14;
	v15 =	vadd.f32 v22, v15  }
0x13b: {  	v58 =	vld.idx.msk [tilespmem:v3+s17+$0x40 ss:$0x1], $0xffff;
	v16 =	vadd.f32 v20, v16;
	v9 =	vadd.f32 v18, v9  }
0x13c: {  	v59 =	vld.idx.msk [tilespmem:v3+s17+$0x30 ss:$0x1], $0xffff;
	v4 =	vadd.f32 v4, v13;
	v5 =	vadd.f32 v5, v14  }
0x13d: {  	v61 =	vld.idx.msk [tilespmem:v3+s17+$0xC0 ss:$0x1], $0xffff;
	v6 =	vadd.f32 v6, v15;
	v60 =	vadd.f32 v28, v17  }
0x13e: {  	v3 =	vld.idx.msk [tilespmem:v3+s17+$0xB0 ss:$0x1], $0xffff;
	v10 =	vadd.f32 v23, v10;
	v7 =	vadd.f32 v7, v16  }
0x13f: {  	v11 =	vadd.f32 v57, v11;
	v14 =	vadd.f32 v56, v60  }
0x140: {  	v8 =	vadd.f32 v8, v9;
	v10 =	vadd.f32 v12, v10  }
0x141: {  	v11 =	vadd.f32 v59, v11;
	v62 =	vadd.f32 v58, v14  }
0x142: {  	v1 =	vadd.f32 v1, v8;
	v2 =	vadd.f32 v2, v10  }
0x143: {  	v3 =	vadd.f32 v3, v11;
	v63 =	vadd.f32 v61, v62  }
0x144: {  	v5 =	vadd.f32 v6, v5;
	v1 =	vadd.f32 v1, v7  }
0x145: {  	s19 =	sshll.u32 s15, $0x4;
	s15 =	sadd.s32 $0x1, s15;
	v2 =	vadd.f32 v3, v2;
	v4 =	vadd.f32 v4, v63  }
0x146: {  	p0 =	sne.s32 s15, $0x10  }
.Ltmp3:
0x147: {  	v1 =	vadd.f32 v2, v1;
	v3 =	vadd.f32 v5, v4;
	(pc) =	sbr.rel @p0 .LBB2_7-.Ltmp3, $4  }
0x148: {  	_ = 	snop  }
0x149: {  	v1 =	vadd.f32 v1, v3  }
0x14a: {  	s17 =	sand.u32 $0x3FFFFFF0, s19  }
0x14b: {  	s7 =	sadd.s32 $0xC80, s7;
	[tilespmem:v0+s17+$0x0 ss:$0x1] =	vst.idx.msk $0xffff, v1  }
0x14c: {  	s5 =	sadd.s32 $0x1, s5  }
0x14d: {  	p0 =	sne.s32 s5, $0xF  }
.Ltmp4:
0x14e: {  	_ = 	snop;
	(pc) =	sbr.rel @p0 .LBB2_2-.Ltmp4, $1  }
0x14f: {  	_ =	sdelay $0x3  }
0x150: {  	_ =	swait.ge [sflag:s16], $0xC800  }
0x151: {  	[sflag:s16] =	ssyncset.done $0x0  }
0x152: {  	s5 =	simm.s32 $0x0;
	s7 =	rddreg [dreg:$0x6];
	[sflag:s16] =	ssyncadd.s32 $0xFFFF3800  }
0x153: {  	[tilespmem:s5], [sflag:$0x3] =	stream.linear.gather [hbm4b:s7+s5], $0xC80, $0x38;
	[tilespmem:$0x1BC80] =	vst v63  }
0x154: {  	_ =	swait.ge [sflag:s11], $0xC80  }
0x155: {  	[sflag:s11] =	ssyncset.done $0x0  }
0x156: {  	s19 =	simm.s32 $0xD480;
	[sflag:s11] =	ssyncadd.s32 $0xFFFFF380  }
0x157: {  	[tilespmem:s19], [sflag:$0x2] =	stream.indirect.gather [hbm4b:s4+s12], $0x10, s5, s12, $0xb8;
	[tilespmem:$0x1BC80] =	vst v63  }
0x158: {  	s15 =	simm.s32 $0xDC80  }
0x159: {  	[tilespmem:s15], [sflag:$0x2] =	stream.indirect.gather [hbm4b:s4+s12], $0x10, s12, s12, $0xb8;
	[tilespmem:$0x1BC80] =	vst v63  }
0x15a: {  	s17 =	simm.s32 $0xE480  }
0x15b: {  	[tilespmem:s17], [sflag:$0x2] =	stream.indirect.gather [hbm4b:s4+s12], $0x10, s21, s12, $0xb8;
	[tilespmem:$0x1BC80] =	vst v63  }
0x15c: {  	s19 =	simm.s32 $0x180;
	s15 =	simm.s32 $0xEC80  }
0x15d: {  	[tilespmem:s15], [sflag:$0x2] =	stream.indirect.gather [hbm4b:s4+s12], $0x10, s19, s12, $0xb8;
	[tilespmem:$0x1BC80] =	vst v63  }
0x15e: {  	s17 =	simm.s32 $0x200;
	s19 =	simm.s32 $0xF480  }
0x15f: {  	[tilespmem:s19], [sflag:$0x2] =	stream.indirect.gather [hbm4b:s4+s12], $0x10, s17, s12, $0xb8;
	[tilespmem:$0x1BC80] =	vst v63  }
0x160: {  	s15 =	simm.s32 $0x280;
	s17 =	simm.s32 $0xFC80  }
0x161: {  	[tilespmem:s17], [sflag:$0x2] =	stream.indirect.gather [hbm4b:s4+s12], $0x10, s15, s12, $0xb8;
	[tilespmem:$0x1BC80] =	vst v63  }
0x162: {  	s19 =	simm.s32 $0x10480  }
0x163: {  	[tilespmem:s19], [sflag:$0x2] =	stream.indirect.gather [hbm4b:s4+s12], $0x10, s23, s12, $0xb8;
	[tilespmem:$0x1BC80] =	vst v63  }
0x164: {  	s15 =	simm.s32 $0x10C80  }
0x165: {  	[tilespmem:s15], [sflag:$0x2] =	stream.indirect.gather [hbm4b:s4+s12], $0x10, s25, s12, $0xb8;
	[tilespmem:$0x1BC80] =	vst v63  }
0x166: {  	s17 =	simm.s32 $0x11480  }
0x167: {  	[tilespmem:s17], [sflag:$0x2] =	stream.indirect.gather [hbm4b:s4+s12], $0x10, s28, s12, $0xb8;
	[tilespmem:$0x1BC80] =	vst v63  }
0x168: {  	s19 =	simm.s32 $0x11C80  }
0x169: {  	[tilespmem:s19], [sflag:$0x2] =	stream.indirect.gather [hbm4b:s4+s12], $0x10, s30, s12, $0xb8;
	[tilespmem:$0x1BC80] =	vst v63  }
0x16a: {  	s15 =	simm.s32 $0x12480  }
0x16b: {  	[tilespmem:s15], [sflag:$0x2] =	stream.indirect.gather [hbm4b:s4+s12], $0x10, s0, s12, $0xb8;
	[tilespmem:$0x1BC80] =	vst v63  }
0x16c: {  	s17 =	simm.s32 $0x12C80  }
0x16d: {  	[tilespmem:s17], [sflag:$0x2] =	stream.indirect.gather [hbm4b:s4+s12], $0x10, s6, s12, $0xb8;
	[tilespmem:$0x1BC80] =	vst v63  }
0x16e: {  	s19 =	simm.s32 $0x13480  }
0x16f: {  	[tilespmem:s19], [sflag:$0x2] =	stream.indirect.gather [hbm4b:s4+s12], $0x10, s9, s12, $0xb8;
	[tilespmem:$0x1BC80] =	vst v63  }
0x170: {  	s15 =	simm.s32 $0x13C80  }
0x171: {  	[tilespmem:s15], [sflag:$0x2] =	stream.indirect.gather [hbm4b:s4+s12], $0x10, s2, s12, $0xb8;
	[tilespmem:$0x1BC80] =	vst v63  }
0x172: {  	s17 =	simm.s32 $0x14480  }
0x173: {  	[tilespmem:s17], [sflag:$0x2] =	stream.indirect.gather [hbm4b:s4+s12], $0x10, s14, s12, $0xb8;
	[tilespmem:$0x1BC80] =	vst v63  }
0x174: {  	s19 =	simm.s32 $0x14C80  }
0x175: {  	[tilespmem:s19], [sflag:$0x2] =	stream.indirect.gather [hbm4b:s4+s12], $0x10, s18, s12, $0xb8;
	[tilespmem:$0x1BC80] =	vst v63  }
0x176: {  	s15 =	simm.s32 $0x15480  }
0x177: {  	[tilespmem:s15], [sflag:$0x2] =	stream.indirect.gather [hbm4b:s4+s12], $0x10, s22, s12, $0xb8;
	[tilespmem:$0x1BC80] =	vst v63  }
0x178: {  	s17 =	simm.s32 $0x15C80  }
0x179: {  	[tilespmem:s17], [sflag:$0x2] =	stream.indirect.gather [hbm4b:s4+s12], $0x10, s26, s12, $0xb8;
	[tilespmem:$0x1BC80] =	vst v63  }
0x17a: {  	s19 =	simm.s32 $0x16480  }
0x17b: {  	[tilespmem:s19], [sflag:$0x2] =	stream.indirect.gather [hbm4b:s4+s12], $0x10, s31, s12, $0xb8;
	[tilespmem:$0x1BC80] =	vst v63  }
0x17c: {  	s15 =	simm.s32 $0x16C80  }
0x17d: {  	[tilespmem:s15], [sflag:$0x2] =	stream.indirect.gather [hbm4b:s4+s12], $0x10, s8, s12, $0xb8;
	[tilespmem:$0x1BC80] =	vst v63  }
0x17e: {  	s17 =	simm.s32 $0x17480  }
0x17f: {  	[tilespmem:s17], [sflag:$0x2] =	stream.indirect.gather [hbm4b:s4+s12], $0x10, s13, s12, $0xb8;
	[tilespmem:$0x1BC80] =	vst v63  }
0x180: {  	s19 =	simm.s32 $0x17C80  }
0x181: {  	[tilespmem:s19], [sflag:$0x2] =	stream.indirect.gather [hbm4b:s4+s12], $0x10, s20, s12, $0xb8;
	[tilespmem:$0x1BC80] =	vst v63  }
0x182: {  	s15 =	simm.s32 $0x18480  }
0x183: {  	[tilespmem:s15], [sflag:$0x2] =	stream.indirect.gather [hbm4b:s4+s12], $0x10, s29, s12, $0xb8;
	[tilespmem:$0x1BC80] =	vst v63  }
0x184: {  	s17 =	simm.s32 $0x18C80  }
0x185: {  	[tilespmem:s17], [sflag:$0x2] =	stream.indirect.gather [hbm4b:s4+s12], $0x10, s10, s12, $0xb8;
	[tilespmem:$0x1BC80] =	vst v63  }
0x186: {  	s7 =	simm.s32 $0xD40;
	s19 =	simm.s32 $0x19480  }
0x187: {  	[tilespmem:s19], [sflag:$0x2] =	stream.indirect.gather [hbm4b:s4+s12], $0x10, s24, s12, $0xb8;
	[tilespmem:$0x1BC80] =	vst v63  }
.LBB2_12:
0x188: {  	v2 =	vmov s7;
	_ =	sdelay $0x3  }
0x189: {  	s15 =	simm.s32 $0x0  }
0x18a: {  	v3 =	vld.idx.msk [tilespmem:v2+s15+$0x50 ss:$0x1], $0xffff  }
0x18b: {  	v4 =	vld.idx.msk [tilespmem:v2+s15+$0x60 ss:$0x1], $0xffff  }
0x18c: {  	v5 =	vld.idx.msk [tilespmem:v2+s15+$0x70 ss:$0x1], $0xffff  }
0x18d: {  	v6 =	vld.idx.msk [tilespmem:v2+s15+$0x80 ss:$0x1], $0xffff  }
0x18e: {  	v0 =	vld.idx.msk [tilespmem:v2+s15+$0x90 ss:$0x1], $0xffff  }
0x18f: {  	v1 =	vld.idx.msk [tilespmem:v2+s15+$0xA0 ss:$0x1], $0xffff  }
0x190: {  	v20 =	vld.idx.msk [tilespmem:v2+s15+$0xFFFFFFD0 ss:$0x1], $0xffff  }
0x191: {  	v18 =	vld.idx.msk [tilespmem:v2+s15+$0xFFFFFFE0 ss:$0x1], $0xffff  }
0x192: {  	v21 =	vld.idx.msk [tilespmem:v2+s15+$0xFFFFFFF0 ss:$0x1], $0xffff  }
0x193: {  	v19 =	vld.idx.msk [tilespmem:v2+s15+$0x0 ss:$0x1], $0xffff  }
0x194: {  	v7 =	vld.idx.msk [tilespmem:v2+s15+$0x10 ss:$0x1], $0xffff  }
0x195: {  	v23 =	vld.idx.msk [tilespmem:v2+s15+$0xFFFFFF50 ss:$0x1], $0xffff  }
0x196: {  	v24 =	vld.idx.msk [tilespmem:v2+s15+$0xFFFFFF60 ss:$0x1], $0xffff  }
0x197: {  	v26 =	vld.idx.msk [tilespmem:v2+s15+$0xFFFFFF70 ss:$0x1], $0xffff  }
0x198: {  	v25 =	vld.idx.msk [tilespmem:v2+s15+$0xFFFFFF80 ss:$0x1], $0xffff  }
0x199: {  	v12 =	vimm.f32 $0.0e+00;
	v13 =	vimm.f32 $0.0e+00;
	v11 =	vld.idx.msk [tilespmem:v2+s15+$0x20 ss:$0x1], $0xffff  }
0x19a: {  	v14 =	vimm.f32 $0.0e+00;
	v15 =	vimm.f32 $0.0e+00;
	v16 =	vimm.f32 $0.0e+00;
	v17 =	vld.idx.msk [tilespmem:v2+s15+$0xFFFFFF90 ss:$0x1], $0xffff  }
0x19b: {  	s17 =	simm.s32 $0x640;
	v8 =	vimm.f32 $0.0e+00;
	v9 =	vimm.f32 $0.0e+00;
	v10 =	vimm.f32 $0.0e+00;
	v22 =	vld.idx.msk [tilespmem:v2+s15+$0xFFFFFFA0 ss:$0x1], $0xffff  }
.LBB2_13:
0x19c: {  	p0 =	sne.s32 s17, $0x2BC0;
	v27 =	vld.idx.msk [tilespmem:v2+s15+$0xFFFFFF40 ss:$0x1], $0xffff;
	v12 =	vadd.f32 v23, v12  }
0x19d: {  	v13 =	vadd.f32 v24, v13;
	v14 =	vadd.f32 v26, v14;
	v23 =	vld.idx.msk [tilespmem:v2+s15+$0xFFFFFFB0 ss:$0x1], $0xffff  }
0x19e: {  	v15 =	vadd.f32 v25, v15;
	v24 =	vld.idx.msk [tilespmem:v2+s15+$0xFFFFFFC0 ss:$0x1], $0xffff;
	v12 =	vadd.f32 v20, v12  }
0x19f: {  	v13 =	vadd.f32 v18, v13;
	v14 =	vadd.f32 v21, v14;
	v18 =	vld.idx.msk [tilespmem:v2+s15+$0x30 ss:$0x1], $0xffff  }
0x1a0: {  	v15 =	vadd.f32 v19, v15;
	v19 =	vld.idx.msk [tilespmem:v2+s15+$0x40 ss:$0x1], $0xffff;
	v12 =	vadd.f32 v3, v12  }
0x1a1: {  	v13 =	vadd.f32 v4, v13;
	v14 =	vadd.f32 v5, v14;
	v20 =	vld.idx.msk [tilespmem:v2+s15+$0xB0 ss:$0x1], $0xffff  }
0x1a2: {  	v5 =	vadd.f32 v27, v16;
	v15 =	vadd.f32 v6, v15;
	v16 =	vld.idx.msk [tilespmem:v2+s15+$0xC0 ss:$0x1], $0xffff;
	s15 =	sshra.s32 s17, $0x2  }
0x1a3: {  	v6 =	vadd.f32 v17, v8;
	v8 =	vadd.f32 v22, v9;
	v3 =	vld.idx.msk [tilespmem:v2+s15+$0x50 ss:$0x1], $0xffff  }
0x1a4: {  	v9 =	vadd.f32 v23, v10;
	v10 =	vadd.f32 v24, v5;
	v4 =	vld.idx.msk [tilespmem:v2+s15+$0x60 ss:$0x1], $0xffff  }
0x1a5: {  	v7 =	vadd.f32 v7, v6;
	v11 =	vadd.f32 v11, v8;
	v5 =	vld.idx.msk [tilespmem:v2+s15+$0x70 ss:$0x1], $0xffff  }
0x1a6: {  	v17 =	vadd.f32 v18, v9;
	v18 =	vadd.f32 v19, v10;
	v6 =	vld.idx.msk [tilespmem:v2+s15+$0x80 ss:$0x1], $0xffff  }
0x1a7: {  	v8 =	vadd.f32 v0, v7;
	v9 =	vadd.f32 v1, v11;
	v0 =	vld.idx.msk [tilespmem:v2+s15+$0x90 ss:$0x1], $0xffff  }
0x1a8: {  	v10 =	vadd.f32 v20, v17;
	v16 =	vadd.f32 v16, v18;
	v1 =	vld.idx.msk [tilespmem:v2+s15+$0xA0 ss:$0x1], $0xffff  }
0x1a9: {  	v20 =	vld.idx.msk [tilespmem:v2+s15+$0xFFFFFFD0 ss:$0x1], $0xffff  }
0x1aa: {  	v18 =	vld.idx.msk [tilespmem:v2+s15+$0xFFFFFFE0 ss:$0x1], $0xffff  }
0x1ab: {  	v21 =	vld.idx.msk [tilespmem:v2+s15+$0xFFFFFFF0 ss:$0x1], $0xffff  }
0x1ac: {  	v19 =	vld.idx.msk [tilespmem:v2+s15+$0x0 ss:$0x1], $0xffff  }
0x1ad: {  	v7 =	vld.idx.msk [tilespmem:v2+s15+$0x10 ss:$0x1], $0xffff  }
0x1ae: {  	v23 =	vld.idx.msk [tilespmem:v2+s15+$0xFFFFFF50 ss:$0x1], $0xffff  }
0x1af: {  	v24 =	vld.idx.msk [tilespmem:v2+s15+$0xFFFFFF60 ss:$0x1], $0xffff  }
.Ltmp5:
0x1b0: {  	v26 =	vld.idx.msk [tilespmem:v2+s15+$0xFFFFFF70 ss:$0x1], $0xffff;
	(pc) =	sbr.rel @p0 .LBB2_13-.Ltmp5, $4  }
0x1b1: {  	v25 =	vld.idx.msk [tilespmem:v2+s15+$0xFFFFFF80 ss:$0x1], $0xffff  }
0x1b2: {  	v11 =	vld.idx.msk [tilespmem:v2+s15+$0x20 ss:$0x1], $0xffff  }
0x1b3: {  	v17 =	vld.idx.msk [tilespmem:v2+s15+$0xFFFFFF90 ss:$0x1], $0xffff  }
0x1b4: {  	s17 =	sadd.s32 $0x640, s17;
	v22 =	vld.idx.msk [tilespmem:v2+s15+$0xFFFFFFA0 ss:$0x1], $0xffff  }
0x1b5: {  	_ =	sdelay $0x2  }
0x1b6: {  	v12 =	vadd.f32 v23, v12  }
0x1b7: {  	v27 =	vld.idx.msk [tilespmem:v2+s15+$0xFFFFFF40 ss:$0x1], $0xffff;
	v13 =	vadd.f32 v24, v13;
	v14 =	vadd.f32 v26, v14  }
0x1b8: {  	v54 =	vld.idx.msk [tilespmem:v2+s15+$0xFFFFFFC0 ss:$0x1], $0xffff;
	v15 =	vadd.f32 v25, v15;
	v12 =	vadd.f32 v20, v12  }
0x1b9: {  	v55 =	vld.idx.msk [tilespmem:v2+s15+$0xFFFFFFB0 ss:$0x1], $0xffff;
	v13 =	vadd.f32 v18, v13;
	v14 =	vadd.f32 v21, v14  }
0x1ba: {  	v56 =	vld.idx.msk [tilespmem:v2+s15+$0x40 ss:$0x1], $0xffff;
	v15 =	vadd.f32 v19, v15;
	v8 =	vadd.f32 v17, v8  }
0x1bb: {  	v57 =	vld.idx.msk [tilespmem:v2+s15+$0x30 ss:$0x1], $0xffff;
	v3 =	vadd.f32 v3, v12;
	v4 =	vadd.f32 v4, v13  }
0x1bc: {  	v59 =	vld.idx.msk [tilespmem:v2+s15+$0xC0 ss:$0x1], $0xffff;
	v5 =	vadd.f32 v5, v14;
	v58 =	vadd.f32 v27, v16  }
0x1bd: {  	v60 =	vld.idx.msk [tilespmem:v2+s15+$0xB0 ss:$0x1], $0xffff;
	v9 =	vadd.f32 v22, v9;
	v6 =	vadd.f32 v6, v15  }
0x1be: {  	v10 =	vadd.f32 v55, v10;
	v13 =	vadd.f32 v54, v58  }
0x1bf: {  	v7 =	vadd.f32 v7, v8;
	v9 =	vadd.f32 v11, v9  }
0x1c0: {  	v10 =	vadd.f32 v57, v10;
	v61 =	vadd.f32 v56, v13  }
0x1c1: {  	v0 =	vadd.f32 v0, v7;
	v1 =	vadd.f32 v1, v9  }
0x1c2: {  	v2 =	vadd.f32 v60, v10;
	v62 =	vadd.f32 v59, v61  }
0x1c3: {  	v4 =	vadd.f32 v5, v4;
	v0 =	vadd.f32 v0, v6  }
0x1c4: {  	s19 =	sshll.u32 s5, $0x4;
	s5 =	sadd.s32 $0x1, s5;
	v1 =	vadd.f32 v2, v1;
	v3 =	vadd.f32 v3, v62  }
0x1c5: {  	p0 =	sne.s32 s5, $0x10  }
.Ltmp6:
0x1c6: {  	v0 =	vadd.f32 v1, v0;
	v63 =	vadd.f32 v4, v3;
	(pc) =	sbr.rel @p0 .LBB2_12-.Ltmp6, $4  }
0x1c7: {  	_ = 	snop  }
0x1c8: {  	v0 =	vadd.f32 v0, v63  }
0x1c9: {  	s15 =	sand.u32 $0x3FFFFFF0, s19  }
0x1ca: {  	s7 =	sadd.s32 $0xC80, s7;
	[tilespmem:s15+$0x1BA80] =	vst v0  }
0x1cb: {  	_ =	swait.ge [sflag:s1], $0xC800  }
0x1cc: {  	[sflag:s1] =	ssyncset.done $0x0  }
0x1cd: {  	s5 =	simm.s32 $0x0;
	s7 =	simm.s32 $0xD540;
	[sflag:s1] =	ssyncadd.s32 $0xFFFF3800  }
.LBB2_16:
0x1ce: {  	v2 =	vmov s7;
	_ =	sdelay $0x3  }
0x1cf: {  	s15 =	simm.s32 $0x0  }
0x1d0: {  	v3 =	vld.idx.msk [tilespmem:v2+s15+$0x50 ss:$0x1], $0xffff  }
0x1d1: {  	v4 =	vld.idx.msk [tilespmem:v2+s15+$0x60 ss:$0x1], $0xffff  }
0x1d2: {  	v5 =	vld.idx.msk [tilespmem:v2+s15+$0x70 ss:$0x1], $0xffff  }
0x1d3: {  	v6 =	vld.idx.msk [tilespmem:v2+s15+$0x80 ss:$0x1], $0xffff  }
0x1d4: {  	v0 =	vld.idx.msk [tilespmem:v2+s15+$0x90 ss:$0x1], $0xffff  }
0x1d5: {  	v1 =	vld.idx.msk [tilespmem:v2+s15+$0xA0 ss:$0x1], $0xffff  }
0x1d6: {  	v20 =	vld.idx.msk [tilespmem:v2+s15+$0xFFFFFFD0 ss:$0x1], $0xffff  }
0x1d7: {  	v18 =	vld.idx.msk [tilespmem:v2+s15+$0xFFFFFFE0 ss:$0x1], $0xffff  }
0x1d8: {  	v21 =	vld.idx.msk [tilespmem:v2+s15+$0xFFFFFFF0 ss:$0x1], $0xffff  }
0x1d9: {  	v19 =	vld.idx.msk [tilespmem:v2+s15+$0x0 ss:$0x1], $0xffff  }
0x1da: {  	v7 =	vld.idx.msk [tilespmem:v2+s15+$0x10 ss:$0x1], $0xffff  }
0x1db: {  	v23 =	vld.idx.msk [tilespmem:v2+s15+$0xFFFFFF50 ss:$0x1], $0xffff  }
0x1dc: {  	v24 =	vld.idx.msk [tilespmem:v2+s15+$0xFFFFFF60 ss:$0x1], $0xffff  }
0x1dd: {  	v26 =	vld.idx.msk [tilespmem:v2+s15+$0xFFFFFF70 ss:$0x1], $0xffff  }
0x1de: {  	v25 =	vld.idx.msk [tilespmem:v2+s15+$0xFFFFFF80 ss:$0x1], $0xffff  }
0x1df: {  	v12 =	vimm.f32 $0.0e+00;
	v13 =	vimm.f32 $0.0e+00;
	v11 =	vld.idx.msk [tilespmem:v2+s15+$0x20 ss:$0x1], $0xffff  }
0x1e0: {  	v14 =	vimm.f32 $0.0e+00;
	v15 =	vimm.f32 $0.0e+00;
	v16 =	vimm.f32 $0.0e+00;
	v17 =	vld.idx.msk [tilespmem:v2+s15+$0xFFFFFF90 ss:$0x1], $0xffff  }
0x1e1: {  	s17 =	simm.s32 $0x640;
	v8 =	vimm.f32 $0.0e+00;
	v9 =	vimm.f32 $0.0e+00;
	v10 =	vimm.f32 $0.0e+00;
	v22 =	vld.idx.msk [tilespmem:v2+s15+$0xFFFFFFA0 ss:$0x1], $0xffff  }
.LBB2_17:
0x1e2: {  	p0 =	sne.s32 s17, $0x2BC0;
	v27 =	vld.idx.msk [tilespmem:v2+s15+$0xFFFFFF40 ss:$0x1], $0xffff;
	v12 =	vadd.f32 v23, v12  }
0x1e3: {  	v13 =	vadd.f32 v24, v13;
	v14 =	vadd.f32 v26, v14;
	v23 =	vld.idx.msk [tilespmem:v2+s15+$0xFFFFFFB0 ss:$0x1], $0xffff  }
0x1e4: {  	v15 =	vadd.f32 v25, v15;
	v24 =	vld.idx.msk [tilespmem:v2+s15+$0xFFFFFFC0 ss:$0x1], $0xffff;
	v12 =	vadd.f32 v20, v12  }
0x1e5: {  	v13 =	vadd.f32 v18, v13;
	v14 =	vadd.f32 v21, v14;
	v18 =	vld.idx.msk [tilespmem:v2+s15+$0x30 ss:$0x1], $0xffff  }
0x1e6: {  	v15 =	vadd.f32 v19, v15;
	v19 =	vld.idx.msk [tilespmem:v2+s15+$0x40 ss:$0x1], $0xffff;
	v12 =	vadd.f32 v3, v12  }
0x1e7: {  	v13 =	vadd.f32 v4, v13;
	v14 =	vadd.f32 v5, v14;
	v20 =	vld.idx.msk [tilespmem:v2+s15+$0xB0 ss:$0x1], $0xffff  }
0x1e8: {  	v5 =	vadd.f32 v27, v16;
	v15 =	vadd.f32 v6, v15;
	v16 =	vld.idx.msk [tilespmem:v2+s15+$0xC0 ss:$0x1], $0xffff;
	s15 =	sshra.s32 s17, $0x2  }
0x1e9: {  	v6 =	vadd.f32 v17, v8;
	v8 =	vadd.f32 v22, v9;
	v3 =	vld.idx.msk [tilespmem:v2+s15+$0x50 ss:$0x1], $0xffff  }
0x1ea: {  	v9 =	vadd.f32 v23, v10;
	v10 =	vadd.f32 v24, v5;
	v4 =	vld.idx.msk [tilespmem:v2+s15+$0x60 ss:$0x1], $0xffff  }
0x1eb: {  	v7 =	vadd.f32 v7, v6;
	v11 =	vadd.f32 v11, v8;
	v5 =	vld.idx.msk [tilespmem:v2+s15+$0x70 ss:$0x1], $0xffff  }
0x1ec: {  	v17 =	vadd.f32 v18, v9;
	v18 =	vadd.f32 v19, v10;
	v6 =	vld.idx.msk [tilespmem:v2+s15+$0x80 ss:$0x1], $0xffff  }
0x1ed: {  	v8 =	vadd.f32 v0, v7;
	v9 =	vadd.f32 v1, v11;
	v0 =	vld.idx.msk [tilespmem:v2+s15+$0x90 ss:$0x1], $0xffff  }
0x1ee: {  	v10 =	vadd.f32 v20, v17;
	v16 =	vadd.f32 v16, v18;
	v1 =	vld.idx.msk [tilespmem:v2+s15+$0xA0 ss:$0x1], $0xffff  }
0x1ef: {  	v20 =	vld.idx.msk [tilespmem:v2+s15+$0xFFFFFFD0 ss:$0x1], $0xffff  }
0x1f0: {  	v18 =	vld.idx.msk [tilespmem:v2+s15+$0xFFFFFFE0 ss:$0x1], $0xffff  }
0x1f1: {  	v21 =	vld.idx.msk [tilespmem:v2+s15+$0xFFFFFFF0 ss:$0x1], $0xffff  }
0x1f2: {  	v19 =	vld.idx.msk [tilespmem:v2+s15+$0x0 ss:$0x1], $0xffff  }
0x1f3: {  	v7 =	vld.idx.msk [tilespmem:v2+s15+$0x10 ss:$0x1], $0xffff  }
0x1f4: {  	v23 =	vld.idx.msk [tilespmem:v2+s15+$0xFFFFFF50 ss:$0x1], $0xffff  }
0x1f5: {  	v24 =	vld.idx.msk [tilespmem:v2+s15+$0xFFFFFF60 ss:$0x1], $0xffff  }
.Ltmp7:
0x1f6: {  	v26 =	vld.idx.msk [tilespmem:v2+s15+$0xFFFFFF70 ss:$0x1], $0xffff;
	(pc) =	sbr.rel @p0 .LBB2_17-.Ltmp7, $4  }
0x1f7: {  	v25 =	vld.idx.msk [tilespmem:v2+s15+$0xFFFFFF80 ss:$0x1], $0xffff  }
0x1f8: {  	v11 =	vld.idx.msk [tilespmem:v2+s15+$0x20 ss:$0x1], $0xffff  }
0x1f9: {  	v17 =	vld.idx.msk [tilespmem:v2+s15+$0xFFFFFF90 ss:$0x1], $0xffff  }
0x1fa: {  	s17 =	sadd.s32 $0x640, s17;
	v22 =	vld.idx.msk [tilespmem:v2+s15+$0xFFFFFFA0 ss:$0x1], $0xffff  }
0x1fb: {  	_ =	sdelay $0x2  }
0x1fc: {  	v12 =	vadd.f32 v23, v12  }
0x1fd: {  	v27 =	vld.idx.msk [tilespmem:v2+s15+$0xFFFFFF40 ss:$0x1], $0xffff;
	v13 =	vadd.f32 v24, v13;
	v14 =	vadd.f32 v26, v14  }
0x1fe: {  	v54 =	vld.idx.msk [tilespmem:v2+s15+$0xFFFFFFC0 ss:$0x1], $0xffff;
	v15 =	vadd.f32 v25, v15;
	v12 =	vadd.f32 v20, v12  }
0x1ff: {  	v55 =	vld.idx.msk [tilespmem:v2+s15+$0xFFFFFFB0 ss:$0x1], $0xffff;
	v13 =	vadd.f32 v18, v13;
	v14 =	vadd.f32 v21, v14  }
0x200: {  	v56 =	vld.idx.msk [tilespmem:v2+s15+$0x40 ss:$0x1], $0xffff;
	v15 =	vadd.f32 v19, v15;
	v8 =	vadd.f32 v17, v8  }
0x201: {  	v57 =	vld.idx.msk [tilespmem:v2+s15+$0x30 ss:$0x1], $0xffff;
	v3 =	vadd.f32 v3, v12;
	v4 =	vadd.f32 v4, v13  }
0x202: {  	v59 =	vld.idx.msk [tilespmem:v2+s15+$0xC0 ss:$0x1], $0xffff;
	v5 =	vadd.f32 v5, v14;
	v58 =	vadd.f32 v27, v16  }
0x203: {  	v60 =	vld.idx.msk [tilespmem:v2+s15+$0xB0 ss:$0x1], $0xffff;
	v9 =	vadd.f32 v22, v9;
	v6 =	vadd.f32 v6, v15  }
0x204: {  	v10 =	vadd.f32 v55, v10;
	v13 =	vadd.f32 v54, v58  }
0x205: {  	v7 =	vadd.f32 v7, v8;
	v9 =	vadd.f32 v11, v9  }
0x206: {  	v10 =	vadd.f32 v57, v10;
	v61 =	vadd.f32 v56, v13  }
0x207: {  	v0 =	vadd.f32 v0, v7;
	v1 =	vadd.f32 v1, v9  }
0x208: {  	v2 =	vadd.f32 v60, v10;
	v62 =	vadd.f32 v59, v61  }
0x209: {  	v4 =	vadd.f32 v5, v4;
	v0 =	vadd.f32 v0, v6  }
0x20a: {  	s19 =	sshll.u32 s5, $0x4;
	s5 =	sadd.s32 $0x1, s5;
	v1 =	vadd.f32 v2, v1;
	v3 =	vadd.f32 v3, v62  }
0x20b: {  	p0 =	sne.s32 s5, $0x10  }
.Ltmp8:
0x20c: {  	v0 =	vadd.f32 v1, v0;
	v63 =	vadd.f32 v4, v3;
	(pc) =	sbr.rel @p0 .LBB2_16-.Ltmp8, $4  }
0x20d: {  	_ = 	snop  }
0x20e: {  	v0 =	vadd.f32 v0, v63  }
0x20f: {  	s15 =	sand.u32 $0x3FFFFFF0, s19  }
0x210: {  	s7 =	sadd.s32 $0xC80, s7;
	[tilespmem:s15+$0x1BB80] =	vst v0  }
0x211: {  	s15 =	simm.s32 $0x0;
	s5 =	rddreg [dreg:$0x7];
	s7 =	simm.s32 $0x19C80  }
0x212: {  	[hbm4b:s5+s15] =	stream.linear.scatter [tilespmem:s7], [sflag:$0x3], $0x2000, $0x38;
	[tilespmem:$0x1BC80] =	vst v63  }
0x213: {  	_ =	swait.ge [sflag:s11], $0x2000  }
0x214: {  	s17 =	rddreg [dreg:$0x9]  }
0x215: {  	s19 =	rddreg [dreg:$0x8];
	s7 =	sadd.s32 $0x1, s17  }
0x216: {  	p0 =	sne.s32 s7, s19  }
.Ltmp9:
0x217: {  	_ = 	snop;
	(pc) =	sbr.rel @p0 .LBB2_1-.Ltmp9, $3  }
0x218: {  	_ =	sdelay $0x1  }
0x219: {  	[sflag:s11] =	ssyncset.done $0x0  }
0x21a: {  	[sflag:s11] =	ssyncadd.s32 $0xFFFFE000  }
0x21b: {  	_ =	sfence.sel $0x180000  }
0x21c: {  	[bflag:$0x0] =	sbarrier.arrive $0xFFFF  }
0x21d: {  	_ =	strace $0x90000047  }
0x21e: {  	s0 =	stileid.u32;
	[bflag:$0x2] =	sbarrier.arrive $0xFFFF  }
0x21f: {  	p0 =	sne.s32 s0, $0x0;
	s0 =	rddreg [dreg:$0x2]  }
0x220: {  	s0 =	sadd.s32 @!p0 $0x100000, s0  }
0x221: {  	[sflag:s0] =	ssyncadd.tile.s32 @!p0 $0x1;
	_ =	shalt  }
.Lfunc_end2:
_tile_overlayer_lowered:
.L_overlay_start_2:
0x222: {  	(tag) =	ssettag $0x2  }
0x223: {  	s0 =	rddreg [dreg:$0x0];
	s2 =	stileid.u32  }
0x224: {  	s1 =	rddreg [dreg:$0x1];
	p0 =	sne.s32 s2, $0x0  }
0x225: {  	s3 =	rddreg [dreg:$0x2];
	[bflag:$0x3] =	sbarrier.arrive $0xFFFF;
	s2 =	simm.s32 @!p0 $0x1C03  }
0x226: {  	[timem:s3], [sflag:s2] =	dma.local @!p0 [hbm:s0], s1  }
0x227: {  	s0 =	simm.s32 @!p0 $0x3  }
0x228: {  	_ =	swait.ge @!p0 [sflag:s0], s1  }
0x229: {  	s1 =	ssub.s32 @!p0 $0x0, s1;
	[sflag:s0] =	ssyncset.done @!p0 $0x0  }
0x22a: {  	[sflag:s0] =	ssyncadd.s32 @!p0 s1  }
0x22b: {  	[bflag:$0x3] =	sbarrier.arrive $0xFFFF  }
0x22c: {  	_ =	shalt  }

</sc_bundles>
